<compile_context>
chip_gen: v7x
topology: tpu7x:2x2x1
jax: 0.10.2.dev20260603
libtpu: 0.0.44.dev20260713+nightly
codegen_flags: <defaults>
</compile_context>

<pallas_src>
import functools

import jax
import jax.numpy as jnp
from jax import lax
from jax.experimental import pallas as pl
from jax.experimental.pallas import tpu as pltpu
from jax.experimental.pallas import tpu_sc as plsc

N_NODES = 10000
N_EDGES = 320000
D_FEAT = 128

NW = 32
C = 128
NCHUNKS = N_EDGES // C
BASE_TRIPS = NCHUNKS // NW
EXTRA = NCHUNKS % NW
NBUF = 6
NSLOT = 84

_mesh = plsc.VectorSubcoreMesh(core_axis_name="c", subcore_axis_name="s")


def _neg_body(x_ref, o_ref):
    o_ref[...] = -x_ref[...]


def _negate(x):
    return pl.pallas_call(
        _neg_body,
        out_shape=jax.ShapeDtypeStruct((N_NODES, D_FEAT), jnp.float32),
    )(x)


_scratch = []
for _b in range(NBUF):
    _scratch += [
        pltpu.VMEM((C,), jnp.int32),
        pltpu.VMEM((C,), jnp.int32),
        pltpu.VMEM((C, D_FEAT), jnp.float32),
        pltpu.SemaphoreType.DMA,
        pltpu.SemaphoreType.DMA,
        pltpu.SemaphoreType.DMA,
        pltpu.SemaphoreType.DMA,
    ]


@functools.partial(
    pl.kernel,
    out_type=jax.ShapeDtypeStruct((N_EDGES, D_FEAT), jnp.float32),
    mesh=_mesh,
    scratch_types=_scratch,
)
def _edge_grad(x_hbm, negx_hbm, src_hbm, dst_hbm, out_hbm, *scr):
    idx_s = [scr[7 * b + 0] for b in range(NBUF)]
    idx_d = [scr[7 * b + 1] for b in range(NBUF)]
    rows = [scr[7 * b + 2] for b in range(NBUF)]
    sem_i = [scr[7 * b + 3] for b in range(NBUF)]
    sem_g = [scr[7 * b + 4] for b in range(NBUF)]
    sem_a = [scr[7 * b + 5] for b in range(NBUF)]
    sem_o = [scr[7 * b + 6] for b in range(NBUF)]

    wid = lax.axis_index("s") * 2 + lax.axis_index("c")
    chunk0 = BASE_TRIPS * wid + lax.min(wid, EXTRA)
    trips = BASE_TRIPS + jnp.where(wid < EXTRA, 1, 0)

    def group_body(g, carry):
        js = [g * NBUF + b for b in range(NBUF)]
        live = [js[b] < trips for b in range(NBUF)]
        bases = [(chunk0 + js[b]) * C for b in range(NBUF)]
        for b in range(NBUF):
            @pl.when(live[b])
            def _(b=b):
                pltpu.async_copy(src_hbm.at[pl.ds(bases[b], C)], idx_s[b], sem_i[b])
                pltpu.async_copy(dst_hbm.at[pl.ds(bases[b], C)], idx_d[b], sem_i[b])
        for b in range(NBUF):
            @pl.when(live[b])
            def _(b=b):
                pltpu.make_async_copy(
                    src_hbm.at[pl.ds(bases[b], C)], idx_s[b], sem_i[b]).wait()
                pltpu.make_async_copy(
                    dst_hbm.at[pl.ds(bases[b], C)], idx_d[b], sem_i[b]).wait()
                pltpu.async_copy(x_hbm.at[idx_d[b]], rows[b], sem_g[b])
        for b in range(NBUF):
            @pl.when(live[b])
            def _(b=b):
                pltpu.make_async_copy(x_hbm.at[idx_d[b]], rows[b], sem_g[b]).wait()
                pltpu.make_async_copy(
                    negx_hbm.at[idx_s[b]], rows[b], sem_a[b]).start(add=True)
        for b in range(NBUF):
            @pl.when(live[b])
            def _(b=b):
                pltpu.make_async_copy(negx_hbm.at[idx_s[b]], rows[b], sem_a[b]).wait()
                pltpu.async_copy(rows[b], out_hbm.at[pl.ds(bases[b], C)], sem_o[b])
        for b in range(NBUF):
            @pl.when(live[b])
            def _(b=b):
                pltpu.make_async_copy(
                    rows[b], out_hbm.at[pl.ds(bases[b], C)], sem_o[b]).wait()
        return carry

    lax.fori_loop(0, NSLOT // NBUF, group_body, 0, unroll=False)


def kernel(x, edge_index):
    negx = _negate(x)
    src = edge_index[0]
    dst = edge_index[1]
    return _edge_grad(x, negx, src, dst)

# --- scband reference (transcript-rebuilt; emitter-appended) ---
"""Pipeline reference for scband-gradient-layer-17729624998206 (READ-ONLY COPY).

The authoritative reference and input builder live on the scoring server;
editing this copy changes nothing except your own understanding.
"""

import jax, jax.numpy as jnp
import numpy as np

N_NODES = 10000
N_EDGES = 320000
D_FEAT = 128

def setup_inputs(seed: int = 0) -> dict:
    key = jax.random.key(seed)
    kx, ke = jax.random.split(key)
    x = jax.random.normal(kx, (N_NODES, D_FEAT), dtype=jnp.float32)
    edge_index = jax.random.randint(ke, (2, N_EDGES), 0, N_NODES, dtype=jnp.int64 if jax.config.jax_enable_x64 else jnp.int32)
    return {"x": x, "edge_index": edge_index}

def reference(x, edge_index):
    # GradientLayer with net=None: out = x_dst - x_src, pure gather + subtract
    x_src = jnp.take(x, edge_index[0], axis=0)
    x_dst = jnp.take(x, edge_index[1], axis=0)
    out = x_dst - x_src
    return out

if __name__ == "__main__":
    import jax
    _d = setup_inputs()
    print(jax.jit(kernel)(*tuple(_d.values())))

</pallas_src>

<mosaic_0001>
#map = affine_map<(d0, d1) -> (0, 0)>
#map1 = affine_map<(d0, d1) -> (0)>
module attributes {stable_mosaic.version = 14 : i64} {
  func.func @_edge_grad(%arg0: i32, %arg1: i32, %arg2: memref<10000x128xf32, #tpu.memory_space<hbm>>, %arg3: memref<10000x128xf32, #tpu.memory_space<hbm>>, %arg4: memref<320000xi32, #tpu.memory_space<hbm>>, %arg5: memref<320000xi32, #tpu.memory_space<hbm>>, %arg6: memref<320000x128xf32, #tpu.memory_space<hbm>>, %arg7: memref<128xi32, #tpu.memory_space<vmem>>, %arg8: memref<128xi32, #tpu.memory_space<vmem>>, %arg9: memref<128x128xf32, #tpu.memory_space<vmem>>, %arg10: memref<!tpu.dma_semaphore, #tpu.memory_space<semaphore_mem>>, %arg11: memref<!tpu.dma_semaphore, #tpu.memory_space<semaphore_mem>>, %arg12: memref<!tpu.dma_semaphore, #tpu.memory_space<semaphore_mem>>, %arg13: memref<!tpu.dma_semaphore, #tpu.memory_space<semaphore_mem>>, %arg14: memref<128xi32, #tpu.memory_space<vmem>>, %arg15: memref<128xi32, #tpu.memory_space<vmem>>, %arg16: memref<128x128xf32, #tpu.memory_space<vmem>>, %arg17: memref<!tpu.dma_semaphore, #tpu.memory_space<semaphore_mem>>, %arg18: memref<!tpu.dma_semaphore, #tpu.memory_space<semaphore_mem>>, %arg19: memref<!tpu.dma_semaphore, #tpu.memory_space<semaphore_mem>>, %arg20: memref<!tpu.dma_semaphore, #tpu.memory_space<semaphore_mem>>, %arg21: memref<128xi32, #tpu.memory_space<vmem>>, %arg22: memref<128xi32, #tpu.memory_space<vmem>>, %arg23: memref<128x128xf32, #tpu.memory_space<vmem>>, %arg24: memref<!tpu.dma_semaphore, #tpu.memory_space<semaphore_mem>>, %arg25: memref<!tpu.dma_semaphore, #tpu.memory_space<semaphore_mem>>, %arg26: memref<!tpu.dma_semaphore, #tpu.memory_space<semaphore_mem>>, %arg27: memref<!tpu.dma_semaphore, #tpu.memory_space<semaphore_mem>>, %arg28: memref<128xi32, #tpu.memory_space<vmem>>, %arg29: memref<128xi32, #tpu.memory_space<vmem>>, %arg30: memref<128x128xf32, #tpu.memory_space<vmem>>, %arg31: memref<!tpu.dma_semaphore, #tpu.memory_space<semaphore_mem>>, %arg32: memref<!tpu.dma_semaphore, #tpu.memory_space<semaphore_mem>>, %arg33: memref<!tpu.dma_semaphore, #tpu.memory_space<semaphore_mem>>, %arg34: memref<!tpu.dma_semaphore, #tpu.memory_space<semaphore_mem>>, %arg35: memref<128xi32, #tpu.memory_space<vmem>>, %arg36: memref<128xi32, #tpu.memory_space<vmem>>, %arg37: memref<128x128xf32, #tpu.memory_space<vmem>>, %arg38: memref<!tpu.dma_semaphore, #tpu.memory_space<semaphore_mem>>, %arg39: memref<!tpu.dma_semaphore, #tpu.memory_space<semaphore_mem>>, %arg40: memref<!tpu.dma_semaphore, #tpu.memory_space<semaphore_mem>>, %arg41: memref<!tpu.dma_semaphore, #tpu.memory_space<semaphore_mem>>, %arg42: memref<128xi32, #tpu.memory_space<vmem>>, %arg43: memref<128xi32, #tpu.memory_space<vmem>>, %arg44: memref<128x128xf32, #tpu.memory_space<vmem>>, %arg45: memref<!tpu.dma_semaphore, #tpu.memory_space<semaphore_mem>>, %arg46: memref<!tpu.dma_semaphore, #tpu.memory_space<semaphore_mem>>, %arg47: memref<!tpu.dma_semaphore, #tpu.memory_space<semaphore_mem>>, %arg48: memref<!tpu.dma_semaphore, #tpu.memory_space<semaphore_mem>>) attributes {dimension_semantics = [#tpu.dimension_semantics<core_parallel>, #tpu.dimension_semantics<subcore_parallel>], iteration_bounds = array<i64: 2, 16>, scalar_prefetch = 0 : i64, scratch_operands = 42 : i64, tpu.core_type = #tpu.core_type<sc_vector_subcore>, window_params = [{transform_indices = #map}, {transform_indices = #map}, {transform_indices = #map1}, {transform_indices = #map1}, {transform_indices = #map}]} {
    %mul3A = arith.constant 2 : i32
    %mul3A_0 = arith.muli %arg1, %mul3A : i32
    %add3A = arith.addi %mul3A_0, %arg0 : i32
    %mul3A_1 = arith.constant 78 : i32
    %mul3A_2 = arith.muli %mul3A_1, %add3A : i32
    %min3A = arith.constant 4 : i32
    %min3A_3 = arith.minsi %add3A, %min3A : i32
    %add3A_4 = arith.addi %mul3A_2, %min3A_3 : i32
    %lt3A = arith.constant 4 : i32
    %lt3A_5 = arith.cmpi slt, %add3A, %lt3A : i32
    %jit3A = arith.constant 1 : i32
    %jit3A_6 = arith.constant 0 : i32
    %select_n3A = arith.select %lt3A_5, %jit3A, %jit3A_6 : i32
    %add3A_7 = arith.constant 78 : i32
    %add3A_8 = arith.addi %add3A_7, %select_n3A : i32
    %scan3A = arith.constant 0 : i32
    %scan3A_9 = arith.constant 0 : i32
    %scan3A_10 = arith.constant 14 : i32
    %scan3A_11 = arith.addi %scan3A_9, %scan3A_10 : i32
    %scan3A_12 = arith.constant 1 : i32
    scf.for %scan3A_14 = %scan3A_9 to %scan3A_11 step %scan3A_12  : i32 {
      %mul3A_15 = arith.constant 6 : i32
      %mul3A_16 = arith.muli %scan3A_14, %mul3A_15 : i32
      %add3A_17 = arith.constant 0 : i32
      %add3A_18 = arith.addi %mul3A_16, %add3A_17 : i32
      %mul3A_19 = arith.constant 6 : i32
      %mul3A_20 = arith.muli %scan3A_14, %mul3A_19 : i32
      %add3A_21 = arith.constant 1 : i32
      %add3A_22 = arith.addi %mul3A_20, %add3A_21 : i32
      %mul3A_23 = arith.constant 6 : i32
      %mul3A_24 = arith.muli %scan3A_14, %mul3A_23 : i32
      %add3A_25 = arith.constant 2 : i32
      %add3A_26 = arith.addi %mul3A_24, %add3A_25 : i32
      %mul3A_27 = arith.constant 6 : i32
      %mul3A_28 = arith.muli %scan3A_14, %mul3A_27 : i32
      %add3A_29 = arith.constant 3 : i32
      %add3A_30 = arith.addi %mul3A_28, %add3A_29 : i32
      %mul3A_31 = arith.constant 6 : i32
      %mul3A_32 = arith.muli %scan3A_14, %mul3A_31 : i32
      %add3A_33 = arith.constant 4 : i32
      %add3A_34 = arith.addi %mul3A_32, %add3A_33 : i32
      %mul3A_35 = arith.constant 6 : i32
      %mul3A_36 = arith.muli %scan3A_14, %mul3A_35 : i32
      %add3A_37 = arith.constant 5 : i32
      %add3A_38 = arith.addi %mul3A_36, %add3A_37 : i32
      %lt3A_39 = arith.cmpi slt, %add3A_18, %add3A_8 : i32
      %lt3A_40 = arith.cmpi slt, %add3A_22, %add3A_8 : i32
      %lt3A_41 = arith.cmpi slt, %add3A_26, %add3A_8 : i32
      %lt3A_42 = arith.cmpi slt, %add3A_30, %add3A_8 : i32
      %lt3A_43 = arith.cmpi slt, %add3A_34, %add3A_8 : i32
      %lt3A_44 = arith.cmpi slt, %add3A_38, %add3A_8 : i32
      %add3A_45 = arith.addi %add3A_4, %add3A_18 : i32
      %mul3A_46 = arith.constant 128 : i32
      %mul3A_47 = arith.muli %add3A_45, %mul3A_46 : i32
      %add3A_48 = arith.addi %add3A_4, %add3A_22 : i32
      %mul3A_49 = arith.constant 128 : i32
      %mul3A_50 = arith.muli %add3A_48, %mul3A_49 : i32
      %add3A_51 = arith.addi %add3A_4, %add3A_26 : i32
      %mul3A_52 = arith.constant 128 : i32
      %mul3A_53 = arith.muli %add3A_51, %mul3A_52 : i32
      %add3A_54 = arith.addi %add3A_4, %add3A_30 : i32
      %mul3A_55 = arith.constant 128 : i32
      %mul3A_56 = arith.muli %add3A_54, %mul3A_55 : i32
      %add3A_57 = arith.addi %add3A_4, %add3A_34 : i32
      %mul3A_58 = arith.constant 128 : i32
      %mul3A_59 = arith.muli %add3A_57, %mul3A_58 : i32
      %add3A_60 = arith.addi %add3A_4, %add3A_38 : i32
      %mul3A_61 = arith.constant 128 : i32
      %mul3A_62 = arith.muli %add3A_60, %mul3A_61 : i32
      %convert_element_type3A = arith.extui %lt3A_39 : i1 to i32
      %cond3A = arith.constant 0 : i32
      %cond3A_63 = arith.cmpi ne, %convert_element_type3A, %cond3A : i32
      scf.if %cond3A_63 {
        %dma_start3A = tpu.memref_slice %arg4[%mul3A_47] : memref<320000xi32, #tpu.memory_space<hbm>> -> memref<128xi32, #tpu.memory_space<hbm>>
        %dma_start3A_151 = tpu.memref_slice %arg4[%mul3A_47] : memref<320000xi32, #tpu.memory_space<hbm>> -> memref<128xi32, #tpu.memory_space<hbm>>
        tpu.enqueue_dma source(%dma_start3A_151 : memref<128xi32, #tpu.memory_space<hbm>>) target(%arg7 : memref<128xi32, #tpu.memory_space<vmem>>) target_semaphore(%arg10 : memref<!tpu.dma_semaphore, #tpu.memory_space<semaphore_mem>>)
        %dma_start3A_152 = tpu.memref_slice %arg5[%mul3A_47] : memref<320000xi32, #tpu.memory_space<hbm>> -> memref<128xi32, #tpu.memory_space<hbm>>
        %dma_start3A_153 = tpu.memref_slice %arg5[%mul3A_47] : memref<320000xi32, #tpu.memory_space<hbm>> -> memref<128xi32, #tpu.memory_space<hbm>>
        tpu.enqueue_dma source(%dma_start3A_153 : memref<128xi32, #tpu.memory_space<hbm>>) target(%arg8 : memref<128xi32, #tpu.memory_space<vmem>>) target_semaphore(%arg10 : memref<!tpu.dma_semaphore, #tpu.memory_space<semaphore_mem>>)
      } else {
      }
      %convert_element_type3A_64 = arith.extui %lt3A_40 : i1 to i32
      %cond3A_65 = arith.constant 0 : i32
      %cond3A_66 = arith.cmpi ne, %convert_element_type3A_64, %cond3A_65 : i32
      scf.if %cond3A_66 {
        %dma_start3A = tpu.memref_slice %arg4[%mul3A_50] : memref<320000xi32, #tpu.memory_space<hbm>> -> memref<128xi32, #tpu.memory_space<hbm>>
        %dma_start3A_151 = tpu.memref_slice %arg4[%mul3A_50] : memref<320000xi32, #tpu.memory_space<hbm>> -> memref<128xi32, #tpu.memory_space<hbm>>
        tpu.enqueue_dma source(%dma_start3A_151 : memref<128xi32, #tpu.memory_space<hbm>>) target(%arg14 : memref<128xi32, #tpu.memory_space<vmem>>) target_semaphore(%arg17 : memref<!tpu.dma_semaphore, #tpu.memory_space<semaphore_mem>>)
        %dma_start3A_152 = tpu.memref_slice %arg5[%mul3A_50] : memref<320000xi32, #tpu.memory_space<hbm>> -> memref<128xi32, #tpu.memory_space<hbm>>
        %dma_start3A_153 = tpu.memref_slice %arg5[%mul3A_50] : memref<320000xi32, #tpu.memory_space<hbm>> -> memref<128xi32, #tpu.memory_space<hbm>>
        tpu.enqueue_dma source(%dma_start3A_153 : memref<128xi32, #tpu.memory_space<hbm>>) target(%arg15 : memref<128xi32, #tpu.memory_space<vmem>>) target_semaphore(%arg17 : memref<!tpu.dma_semaphore, #tpu.memory_space<semaphore_mem>>)
      } else {
      }
      %convert_element_type3A_67 = arith.extui %lt3A_41 : i1 to i32
      %cond3A_68 = arith.constant 0 : i32
      %cond3A_69 = arith.cmpi ne, %convert_element_type3A_67, %cond3A_68 : i32
      scf.if %cond3A_69 {
        %dma_start3A = tpu.memref_slice %arg4[%mul3A_53] : memref<320000xi32, #tpu.memory_space<hbm>> -> memref<128xi32, #tpu.memory_space<hbm>>
        %dma_start3A_151 = tpu.memref_slice %arg4[%mul3A_53] : memref<320000xi32, #tpu.memory_space<hbm>> -> memref<128xi32, #tpu.memory_space<hbm>>
        tpu.enqueue_dma source(%dma_start3A_151 : memref<128xi32, #tpu.memory_space<hbm>>) target(%arg21 : memref<128xi32, #tpu.memory_space<vmem>>) target_semaphore(%arg24 : memref<!tpu.dma_semaphore, #tpu.memory_space<semaphore_mem>>)
        %dma_start3A_152 = tpu.memref_slice %arg5[%mul3A_53] : memref<320000xi32, #tpu.memory_space<hbm>> -> memref<128xi32, #tpu.memory_space<hbm>>
        %dma_start3A_153 = tpu.memref_slice %arg5[%mul3A_53] : memref<320000xi32, #tpu.memory_space<hbm>> -> memref<128xi32, #tpu.memory_space<hbm>>
        tpu.enqueue_dma source(%dma_start3A_153 : memref<128xi32, #tpu.memory_space<hbm>>) target(%arg22 : memref<128xi32, #tpu.memory_space<vmem>>) target_semaphore(%arg24 : memref<!tpu.dma_semaphore, #tpu.memory_space<semaphore_mem>>)
      } else {
      }
      %convert_element_type3A_70 = arith.extui %lt3A_42 : i1 to i32
      %cond3A_71 = arith.constant 0 : i32
      %cond3A_72 = arith.cmpi ne, %convert_element_type3A_70, %cond3A_71 : i32
      scf.if %cond3A_72 {
        %dma_start3A = tpu.memref_slice %arg4[%mul3A_56] : memref<320000xi32, #tpu.memory_space<hbm>> -> memref<128xi32, #tpu.memory_space<hbm>>
        %dma_start3A_151 = tpu.memref_slice %arg4[%mul3A_56] : memref<320000xi32, #tpu.memory_space<hbm>> -> memref<128xi32, #tpu.memory_space<hbm>>
        tpu.enqueue_dma source(%dma_start3A_151 : memref<128xi32, #tpu.memory_space<hbm>>) target(%arg28 : memref<128xi32, #tpu.memory_space<vmem>>) target_semaphore(%arg31 : memref<!tpu.dma_semaphore, #tpu.memory_space<semaphore_mem>>)
        %dma_start3A_152 = tpu.memref_slice %arg5[%mul3A_56] : memref<320000xi32, #tpu.memory_space<hbm>> -> memref<128xi32, #tpu.memory_space<hbm>>
        %dma_start3A_153 = tpu.memref_slice %arg5[%mul3A_56] : memref<320000xi32, #tpu.memory_space<hbm>> -> memref<128xi32, #tpu.memory_space<hbm>>
        tpu.enqueue_dma source(%dma_start3A_153 : memref<128xi32, #tpu.memory_space<hbm>>) target(%arg29 : memref<128xi32, #tpu.memory_space<vmem>>) target_semaphore(%arg31 : memref<!tpu.dma_semaphore, #tpu.memory_space<semaphore_mem>>)
      } else {
      }
      %convert_element_type3A_73 = arith.extui %lt3A_43 : i1 to i32
      %cond3A_74 = arith.constant 0 : i32
      %cond3A_75 = arith.cmpi ne, %convert_element_type3A_73, %cond3A_74 : i32
      scf.if %cond3A_75 {
        %dma_start3A = tpu.memref_slice %arg4[%mul3A_59] : memref<320000xi32, #tpu.memory_space<hbm>> -> memref<128xi32, #tpu.memory_space<hbm>>
        %dma_start3A_151 = tpu.memref_slice %arg4[%mul3A_59] : memref<320000xi32, #tpu.memory_space<hbm>> -> memref<128xi32, #tpu.memory_space<hbm>>
        tpu.enqueue_dma source(%dma_start3A_151 : memref<128xi32, #tpu.memory_space<hbm>>) target(%arg35 : memref<128xi32, #tpu.memory_space<vmem>>) target_semaphore(%arg38 : memref<!tpu.dma_semaphore, #tpu.memory_space<semaphore_mem>>)
        %dma_start3A_152 = tpu.memref_slice %arg5[%mul3A_59] : memref<320000xi32, #tpu.memory_space<hbm>> -> memref<128xi32, #tpu.memory_space<hbm>>
        %dma_start3A_153 = tpu.memref_slice %arg5[%mul3A_59] : memref<320000xi32, #tpu.memory_space<hbm>> -> memref<128xi32, #tpu.memory_space<hbm>>
        tpu.enqueue_dma source(%dma_start3A_153 : memref<128xi32, #tpu.memory_space<hbm>>) target(%arg36 : memref<128xi32, #tpu.memory_space<vmem>>) target_semaphore(%arg38 : memref<!tpu.dma_semaphore, #tpu.memory_space<semaphore_mem>>)
      } else {
      }
      %convert_element_type3A_76 = arith.extui %lt3A_44 : i1 to i32
      %cond3A_77 = arith.constant 0 : i32
      %cond3A_78 = arith.cmpi ne, %convert_element_type3A_76, %cond3A_77 : i32
      scf.if %cond3A_78 {
        %dma_start3A = tpu.memref_slice %arg4[%mul3A_62] : memref<320000xi32, #tpu.memory_space<hbm>> -> memref<128xi32, #tpu.memory_space<hbm>>
        %dma_start3A_151 = tpu.memref_slice %arg4[%mul3A_62] : memref<320000xi32, #tpu.memory_space<hbm>> -> memref<128xi32, #tpu.memory_space<hbm>>
        tpu.enqueue_dma source(%dma_start3A_151 : memref<128xi32, #tpu.memory_space<hbm>>) target(%arg42 : memref<128xi32, #tpu.memory_space<vmem>>) target_semaphore(%arg45 : memref<!tpu.dma_semaphore, #tpu.memory_space<semaphore_mem>>)
        %dma_start3A_152 = tpu.memref_slice %arg5[%mul3A_62] : memref<320000xi32, #tpu.memory_space<hbm>> -> memref<128xi32, #tpu.memory_space<hbm>>
        %dma_start3A_153 = tpu.memref_slice %arg5[%mul3A_62] : memref<320000xi32, #tpu.memory_space<hbm>> -> memref<128xi32, #tpu.memory_space<hbm>>
        tpu.enqueue_dma source(%dma_start3A_153 : memref<128xi32, #tpu.memory_space<hbm>>) target(%arg43 : memref<128xi32, #tpu.memory_space<vmem>>) target_semaphore(%arg45 : memref<!tpu.dma_semaphore, #tpu.memory_space<semaphore_mem>>)
      } else {
      }
      %convert_element_type3A_79 = arith.extui %lt3A_39 : i1 to i32
      %cond3A_80 = arith.constant 0 : i32
      %cond3A_81 = arith.cmpi ne, %convert_element_type3A_79, %cond3A_80 : i32
      scf.if %cond3A_81 {
        %dma_wait3A = tpu.memref_slice %arg4[%mul3A_47] : memref<320000xi32, #tpu.memory_space<hbm>> -> memref<128xi32, #tpu.memory_space<hbm>>
        %dma_wait3A_151 = tpu.memref_slice %arg4[%mul3A_47] : memref<320000xi32, #tpu.memory_space<hbm>> -> memref<128xi32, #tpu.memory_space<hbm>>
        tpu.wait_dma2 semaphore(%arg10 : memref<!tpu.dma_semaphore, #tpu.memory_space<semaphore_mem>>) src(%dma_wait3A_151 : memref<128xi32, #tpu.memory_space<hbm>>) dst(%arg7 : memref<128xi32, #tpu.memory_space<vmem>>)
        %dma_wait3A_152 = tpu.memref_slice %arg5[%mul3A_47] : memref<320000xi32, #tpu.memory_space<hbm>> -> memref<128xi32, #tpu.memory_space<hbm>>
        %dma_wait3A_153 = tpu.memref_slice %arg5[%mul3A_47] : memref<320000xi32, #tpu.memory_space<hbm>> -> memref<128xi32, #tpu.memory_space<hbm>>
        tpu.wait_dma2 semaphore(%arg10 : memref<!tpu.dma_semaphore, #tpu.memory_space<semaphore_mem>>) src(%dma_wait3A_153 : memref<128xi32, #tpu.memory_space<hbm>>) dst(%arg8 : memref<128xi32, #tpu.memory_space<vmem>>)
        %dma_start3A = arith.constant 0 : i32
        %dma_start3A_154 = arith.constant 0 : i32
        %dma_start3A_155 = tpu.memref_slice %arg2[%dma_start3A, %dma_start3A_154] : memref<10000x128xf32, #tpu.memory_space<hbm>> -> memref<10000x128xf32, #tpu.memory_space<hbm>>
        tpu.enqueue_indirect_dma source(%dma_start3A_155 : memref<10000x128xf32, #tpu.memory_space<hbm>>) target(%arg9 : memref<128x128xf32, #tpu.memory_space<vmem>>) offsets(%arg8 : memref<128xi32, #tpu.memory_space<vmem>>) semaphore(%arg11 : memref<!tpu.dma_semaphore, #tpu.memory_space<semaphore_mem>>)
      } else {
      }
      %convert_element_type3A_82 = arith.extui %lt3A_40 : i1 to i32
      %cond3A_83 = arith.constant 0 : i32
      %cond3A_84 = arith.cmpi ne, %convert_element_type3A_82, %cond3A_83 : i32
      scf.if %cond3A_84 {
        %dma_wait3A = tpu.memref_slice %arg4[%mul3A_50] : memref<320000xi32, #tpu.memory_space<hbm>> -> memref<128xi32, #tpu.memory_space<hbm>>
        %dma_wait3A_151 = tpu.memref_slice %arg4[%mul3A_50] : memref<320000xi32, #tpu.memory_space<hbm>> -> memref<128xi32, #tpu.memory_space<hbm>>
        tpu.wait_dma2 semaphore(%arg17 : memref<!tpu.dma_semaphore, #tpu.memory_space<semaphore_mem>>) src(%dma_wait3A_151 : memref<128xi32, #tpu.memory_space<hbm>>) dst(%arg14 : memref<128xi32, #tpu.memory_space<vmem>>)
        %dma_wait3A_152 = tpu.memref_slice %arg5[%mul3A_50] : memref<320000xi32, #tpu.memory_space<hbm>> -> memref<128xi32, #tpu.memory_space<hbm>>
        %dma_wait3A_153 = tpu.memref_slice %arg5[%mul3A_50] : memref<320000xi32, #tpu.memory_space<hbm>> -> memref<128xi32, #tpu.memory_space<hbm>>
        tpu.wait_dma2 semaphore(%arg17 : memref<!tpu.dma_semaphore, #tpu.memory_space<semaphore_mem>>) src(%dma_wait3A_153 : memref<128xi32, #tpu.memory_space<hbm>>) dst(%arg15 : memref<128xi32, #tpu.memory_space<vmem>>)
        %dma_start3A = arith.constant 0 : i32
        %dma_start3A_154 = arith.constant 0 : i32
        %dma_start3A_155 = tpu.memref_slice %arg2[%dma_start3A, %dma_start3A_154] : memref<10000x128xf32, #tpu.memory_space<hbm>> -> memref<10000x128xf32, #tpu.memory_space<hbm>>
        tpu.enqueue_indirect_dma source(%dma_start3A_155 : memref<10000x128xf32, #tpu.memory_space<hbm>>) target(%arg16 : memref<128x128xf32, #tpu.memory_space<vmem>>) offsets(%arg15 : memref<128xi32, #tpu.memory_space<vmem>>) semaphore(%arg18 : memref<!tpu.dma_semaphore, #tpu.memory_space<semaphore_mem>>)
      } else {
      }
      %convert_element_type3A_85 = arith.extui %lt3A_41 : i1 to i32
      %cond3A_86 = arith.constant 0 : i32
      %cond3A_87 = arith.cmpi ne, %convert_element_type3A_85, %cond3A_86 : i32
      scf.if %cond3A_87 {
        %dma_wait3A = tpu.memref_slice %arg4[%mul3A_53] : memref<320000xi32, #tpu.memory_space<hbm>> -> memref<128xi32, #tpu.memory_space<hbm>>
        %dma_wait3A_151 = tpu.memref_slice %arg4[%mul3A_53] : memref<320000xi32, #tpu.memory_space<hbm>> -> memref<128xi32, #tpu.memory_space<hbm>>
        tpu.wait_dma2 semaphore(%arg24 : memref<!tpu.dma_semaphore, #tpu.memory_space<semaphore_mem>>) src(%dma_wait3A_151 : memref<128xi32, #tpu.memory_space<hbm>>) dst(%arg21 : memref<128xi32, #tpu.memory_space<vmem>>)
        %dma_wait3A_152 = tpu.memref_slice %arg5[%mul3A_53] : memref<320000xi32, #tpu.memory_space<hbm>> -> memref<128xi32, #tpu.memory_space<hbm>>
        %dma_wait3A_153 = tpu.memref_slice %arg5[%mul3A_53] : memref<320000xi32, #tpu.memory_space<hbm>> -> memref<128xi32, #tpu.memory_space<hbm>>
        tpu.wait_dma2 semaphore(%arg24 : memref<!tpu.dma_semaphore, #tpu.memory_space<semaphore_mem>>) src(%dma_wait3A_153 : memref<128xi32, #tpu.memory_space<hbm>>) dst(%arg22 : memref<128xi32, #tpu.memory_space<vmem>>)
        %dma_start3A = arith.constant 0 : i32
        %dma_start3A_154 = arith.constant 0 : i32
        %dma_start3A_155 = tpu.memref_slice %arg2[%dma_start3A, %dma_start3A_154] : memref<10000x128xf32, #tpu.memory_space<hbm>> -> memref<10000x128xf32, #tpu.memory_space<hbm>>
        tpu.enqueue_indirect_dma source(%dma_start3A_155 : memref<10000x128xf32, #tpu.memory_space<hbm>>) target(%arg23 : memref<128x128xf32, #tpu.memory_space<vmem>>) offsets(%arg22 : memref<128xi32, #tpu.memory_space<vmem>>) semaphore(%arg25 : memref<!tpu.dma_semaphore, #tpu.memory_space<semaphore_mem>>)
      } else {
      }
      %convert_element_type3A_88 = arith.extui %lt3A_42 : i1 to i32
      %cond3A_89 = arith.constant 0 : i32
      %cond3A_90 = arith.cmpi ne, %convert_element_type3A_88, %cond3A_89 : i32
      scf.if %cond3A_90 {
        %dma_wait3A = tpu.memref_slice %arg4[%mul3A_56] : memref<320000xi32, #tpu.memory_space<hbm>> -> memref<128xi32, #tpu.memory_space<hbm>>
        %dma_wait3A_151 = tpu.memref_slice %arg4[%mul3A_56] : memref<320000xi32, #tpu.memory_space<hbm>> -> memref<128xi32, #tpu.memory_space<hbm>>
        tpu.wait_dma2 semaphore(%arg31 : memref<!tpu.dma_semaphore, #tpu.memory_space<semaphore_mem>>) src(%dma_wait3A_151 : memref<128xi32, #tpu.memory_space<hbm>>) dst(%arg28 : memref<128xi32, #tpu.memory_space<vmem>>)
        %dma_wait3A_152 = tpu.memref_slice %arg5[%mul3A_56] : memref<320000xi32, #tpu.memory_space<hbm>> -> memref<128xi32, #tpu.memory_space<hbm>>
        %dma_wait3A_153 = tpu.memref_slice %arg5[%mul3A_56] : memref<320000xi32, #tpu.memory_space<hbm>> -> memref<128xi32, #tpu.memory_space<hbm>>
        tpu.wait_dma2 semaphore(%arg31 : memref<!tpu.dma_semaphore, #tpu.memory_space<semaphore_mem>>) src(%dma_wait3A_153 : memref<128xi32, #tpu.memory_space<hbm>>) dst(%arg29 : memref<128xi32, #tpu.memory_space<vmem>>)
        %dma_start3A = arith.constant 0 : i32
        %dma_start3A_154 = arith.constant 0 : i32
        %dma_start3A_155 = tpu.memref_slice %arg2[%dma_start3A, %dma_start3A_154] : memref<10000x128xf32, #tpu.memory_space<hbm>> -> memref<10000x128xf32, #tpu.memory_space<hbm>>
        tpu.enqueue_indirect_dma source(%dma_start3A_155 : memref<10000x128xf32, #tpu.memory_space<hbm>>) target(%arg30 : memref<128x128xf32, #tpu.memory_space<vmem>>) offsets(%arg29 : memref<128xi32, #tpu.memory_space<vmem>>) semaphore(%arg32 : memref<!tpu.dma_semaphore, #tpu.memory_space<semaphore_mem>>)
      } else {
      }
      %convert_element_type3A_91 = arith.extui %lt3A_43 : i1 to i32
      %cond3A_92 = arith.constant 0 : i32
      %cond3A_93 = arith.cmpi ne, %convert_element_type3A_91, %cond3A_92 : i32
      scf.if %cond3A_93 {
        %dma_wait3A = tpu.memref_slice %arg4[%mul3A_59] : memref<320000xi32, #tpu.memory_space<hbm>> -> memref<128xi32, #tpu.memory_space<hbm>>
        %dma_wait3A_151 = tpu.memref_slice %arg4[%mul3A_59] : memref<320000xi32, #tpu.memory_space<hbm>> -> memref<128xi32, #tpu.memory_space<hbm>>
        tpu.wait_dma2 semaphore(%arg38 : memref<!tpu.dma_semaphore, #tpu.memory_space<semaphore_mem>>) src(%dma_wait3A_151 : memref<128xi32, #tpu.memory_space<hbm>>) dst(%arg35 : memref<128xi32, #tpu.memory_space<vmem>>)
        %dma_wait3A_152 = tpu.memref_slice %arg5[%mul3A_59] : memref<320000xi32, #tpu.memory_space<hbm>> -> memref<128xi32, #tpu.memory_space<hbm>>
        %dma_wait3A_153 = tpu.memref_slice %arg5[%mul3A_59] : memref<320000xi32, #tpu.memory_space<hbm>> -> memref<128xi32, #tpu.memory_space<hbm>>
        tpu.wait_dma2 semaphore(%arg38 : memref<!tpu.dma_semaphore, #tpu.memory_space<semaphore_mem>>) src(%dma_wait3A_153 : memref<128xi32, #tpu.memory_space<hbm>>) dst(%arg36 : memref<128xi32, #tpu.memory_space<vmem>>)
        %dma_start3A = arith.constant 0 : i32
        %dma_start3A_154 = arith.constant 0 : i32
        %dma_start3A_155 = tpu.memref_slice %arg2[%dma_start3A, %dma_start3A_154] : memref<10000x128xf32, #tpu.memory_space<hbm>> -> memref<10000x128xf32, #tpu.memory_space<hbm>>
        tpu.enqueue_indirect_dma source(%dma_start3A_155 : memref<10000x128xf32, #tpu.memory_space<hbm>>) target(%arg37 : memref<128x128xf32, #tpu.memory_space<vmem>>) offsets(%arg36 : memref<128xi32, #tpu.memory_space<vmem>>) semaphore(%arg39 : memref<!tpu.dma_semaphore, #tpu.memory_space<semaphore_mem>>)
      } else {
      }
      %convert_element_type3A_94 = arith.extui %lt3A_44 : i1 to i32
      %cond3A_95 = arith.constant 0 : i32
      %cond3A_96 = arith.cmpi ne, %convert_element_type3A_94, %cond3A_95 : i32
      scf.if %cond3A_96 {
        %dma_wait3A = tpu.memref_slice %arg4[%mul3A_62] : memref<320000xi32, #tpu.memory_space<hbm>> -> memref<128xi32, #tpu.memory_space<hbm>>
        %dma_wait3A_151 = tpu.memref_slice %arg4[%mul3A_62] : memref<320000xi32, #tpu.memory_space<hbm>> -> memref<128xi32, #tpu.memory_space<hbm>>
        tpu.wait_dma2 semaphore(%arg45 : memref<!tpu.dma_semaphore, #tpu.memory_space<semaphore_mem>>) src(%dma_wait3A_151 : memref<128xi32, #tpu.memory_space<hbm>>) dst(%arg42 : memref<128xi32, #tpu.memory_space<vmem>>)
        %dma_wait3A_152 = tpu.memref_slice %arg5[%mul3A_62] : memref<320000xi32, #tpu.memory_space<hbm>> -> memref<128xi32, #tpu.memory_space<hbm>>
        %dma_wait3A_153 = tpu.memref_slice %arg5[%mul3A_62] : memref<320000xi32, #tpu.memory_space<hbm>> -> memref<128xi32, #tpu.memory_space<hbm>>
        tpu.wait_dma2 semaphore(%arg45 : memref<!tpu.dma_semaphore, #tpu.memory_space<semaphore_mem>>) src(%dma_wait3A_153 : memref<128xi32, #tpu.memory_space<hbm>>) dst(%arg43 : memref<128xi32, #tpu.memory_space<vmem>>)
        %dma_start3A = arith.constant 0 : i32
        %dma_start3A_154 = arith.constant 0 : i32
        %dma_start3A_155 = tpu.memref_slice %arg2[%dma_start3A, %dma_start3A_154] : memref<10000x128xf32, #tpu.memory_space<hbm>> -> memref<10000x128xf32, #tpu.memory_space<hbm>>
        tpu.enqueue_indirect_dma source(%dma_start3A_155 : memref<10000x128xf32, #tpu.memory_space<hbm>>) target(%arg44 : memref<128x128xf32, #tpu.memory_space<vmem>>) offsets(%arg43 : memref<128xi32, #tpu.memory_space<vmem>>) semaphore(%arg46 : memref<!tpu.dma_semaphore, #tpu.memory_space<semaphore_mem>>)
      } else {
      }
      %convert_element_type3A_97 = arith.extui %lt3A_39 : i1 to i32
      %cond3A_98 = arith.constant 0 : i32
      %cond3A_99 = arith.cmpi ne, %convert_element_type3A_97, %cond3A_98 : i32
      scf.if %cond3A_99 {
        %dma_wait3A = arith.constant 0 : i32
        %dma_wait3A_151 = arith.constant 0 : i32
        %dma_wait3A_152 = tpu.memref_slice %arg2[%dma_wait3A, %dma_wait3A_151] : memref<10000x128xf32, #tpu.memory_space<hbm>> -> memref<10000x128xf32, #tpu.memory_space<hbm>>
        tpu.wait_indirect_dma semaphore(%arg11 : memref<!tpu.dma_semaphore, #tpu.memory_space<semaphore_mem>>) src(%dma_wait3A_152 : memref<10000x128xf32, #tpu.memory_space<hbm>>) dst(%arg9 : memref<128x128xf32, #tpu.memory_space<vmem>>)
        %dma_start3A = arith.constant 0 : i32
        %dma_start3A_153 = arith.constant 0 : i32
        %dma_start3A_154 = tpu.memref_slice %arg3[%dma_start3A, %dma_start3A_153] : memref<10000x128xf32, #tpu.memory_space<hbm>> -> memref<10000x128xf32, #tpu.memory_space<hbm>>
        tpu.enqueue_indirect_dma source(%dma_start3A_154 : memref<10000x128xf32, #tpu.memory_space<hbm>>) target(%arg9 : memref<128x128xf32, #tpu.memory_space<vmem>>) offsets(%arg7 : memref<128xi32, #tpu.memory_space<vmem>>) semaphore(%arg12 : memref<!tpu.dma_semaphore, #tpu.memory_space<semaphore_mem>>) {add = true}
      } else {
      }
      %convert_element_type3A_100 = arith.extui %lt3A_40 : i1 to i32
      %cond3A_101 = arith.constant 0 : i32
      %cond3A_102 = arith.cmpi ne, %convert_element_type3A_100, %cond3A_101 : i32
      scf.if %cond3A_102 {
        %dma_wait3A = arith.constant 0 : i32
        %dma_wait3A_151 = arith.constant 0 : i32
        %dma_wait3A_152 = tpu.memref_slice %arg2[%dma_wait3A, %dma_wait3A_151] : memref<10000x128xf32, #tpu.memory_space<hbm>> -> memref<10000x128xf32, #tpu.memory_space<hbm>>
        tpu.wait_indirect_dma semaphore(%arg18 : memref<!tpu.dma_semaphore, #tpu.memory_space<semaphore_mem>>) src(%dma_wait3A_152 : memref<10000x128xf32, #tpu.memory_space<hbm>>) dst(%arg16 : memref<128x128xf32, #tpu.memory_space<vmem>>)
        %dma_start3A = arith.constant 0 : i32
        %dma_start3A_153 = arith.constant 0 : i32
        %dma_start3A_154 = tpu.memref_slice %arg3[%dma_start3A, %dma_start3A_153] : memref<10000x128xf32, #tpu.memory_space<hbm>> -> memref<10000x128xf32, #tpu.memory_space<hbm>>
        tpu.enqueue_indirect_dma source(%dma_start3A_154 : memref<10000x128xf32, #tpu.memory_space<hbm>>) target(%arg16 : memref<128x128xf32, #tpu.memory_space<vmem>>) offsets(%arg14 : memref<128xi32, #tpu.memory_space<vmem>>) semaphore(%arg19 : memref<!tpu.dma_semaphore, #tpu.memory_space<semaphore_mem>>) {add = true}
      } else {
      }
      %convert_element_type3A_103 = arith.extui %lt3A_41 : i1 to i32
      %cond3A_104 = arith.constant 0 : i32
      %cond3A_105 = arith.cmpi ne, %convert_element_type3A_103, %cond3A_104 : i32
      scf.if %cond3A_105 {
        %dma_wait3A = arith.constant 0 : i32
        %dma_wait3A_151 = arith.constant 0 : i32
        %dma_wait3A_152 = tpu.memref_slice %arg2[%dma_wait3A, %dma_wait3A_151] : memref<10000x128xf32, #tpu.memory_space<hbm>> -> memref<10000x128xf32, #tpu.memory_space<hbm>>
        tpu.wait_indirect_dma semaphore(%arg25 : memref<!tpu.dma_semaphore, #tpu.memory_space<semaphore_mem>>) src(%dma_wait3A_152 : memref<10000x128xf32, #tpu.memory_space<hbm>>) dst(%arg23 : memref<128x128xf32, #tpu.memory_space<vmem>>)
        %dma_start3A = arith.constant 0 : i32
        %dma_start3A_153 = arith.constant 0 : i32
        %dma_start3A_154 = tpu.memref_slice %arg3[%dma_start3A, %dma_start3A_153] : memref<10000x128xf32, #tpu.memory_space<hbm>> -> memref<10000x128xf32, #tpu.memory_space<hbm>>
        tpu.enqueue_indirect_dma source(%dma_start3A_154 : memref<10000x128xf32, #tpu.memory_space<hbm>>) target(%arg23 : memref<128x128xf32, #tpu.memory_space<vmem>>) offsets(%arg21 : memref<128xi32, #tpu.memory_space<vmem>>) semaphore(%arg26 : memref<!tpu.dma_semaphore, #tpu.memory_space<semaphore_mem>>) {add = true}
      } else {
      }
      %convert_element_type3A_106 = arith.extui %lt3A_42 : i1 to i32
      %cond3A_107 = arith.constant 0 : i32
      %cond3A_108 = arith.cmpi ne, %convert_element_type3A_106, %cond3A_107 : i32
      scf.if %cond3A_108 {
        %dma_wait3A = arith.constant 0 : i32
        %dma_wait3A_151 = arith.constant 0 : i32
        %dma_wait3A_152 = tpu.memref_slice %arg2[%dma_wait3A, %dma_wait3A_151] : memref<10000x128xf32, #tpu.memory_space<hbm>> -> memref<10000x128xf32, #tpu.memory_space<hbm>>
        tpu.wait_indirect_dma semaphore(%arg32 : memref<!tpu.dma_semaphore, #tpu.memory_space<semaphore_mem>>) src(%dma_wait3A_152 : memref<10000x128xf32, #tpu.memory_space<hbm>>) dst(%arg30 : memref<128x128xf32, #tpu.memory_space<vmem>>)
        %dma_start3A = arith.constant 0 : i32
        %dma_start3A_153 = arith.constant 0 : i32
        %dma_start3A_154 = tpu.memref_slice %arg3[%dma_start3A, %dma_start3A_153] : memref<10000x128xf32, #tpu.memory_space<hbm>> -> memref<10000x128xf32, #tpu.memory_space<hbm>>
        tpu.enqueue_indirect_dma source(%dma_start3A_154 : memref<10000x128xf32, #tpu.memory_space<hbm>>) target(%arg30 : memref<128x128xf32, #tpu.memory_space<vmem>>) offsets(%arg28 : memref<128xi32, #tpu.memory_space<vmem>>) semaphore(%arg33 : memref<!tpu.dma_semaphore, #tpu.memory_space<semaphore_mem>>) {add = true}
      } else {
      }
      %convert_element_type3A_109 = arith.extui %lt3A_43 : i1 to i32
      %cond3A_110 = arith.constant 0 : i32
      %cond3A_111 = arith.cmpi ne, %convert_element_type3A_109, %cond3A_110 : i32
      scf.if %cond3A_111 {
        %dma_wait3A = arith.constant 0 : i32
        %dma_wait3A_151 = arith.constant 0 : i32
        %dma_wait3A_152 = tpu.memref_slice %arg2[%dma_wait3A, %dma_wait3A_151] : memref<10000x128xf32, #tpu.memory_space<hbm>> -> memref<10000x128xf32, #tpu.memory_space<hbm>>
        tpu.wait_indirect_dma semaphore(%arg39 : memref<!tpu.dma_semaphore, #tpu.memory_space<semaphore_mem>>) src(%dma_wait3A_152 : memref<10000x128xf32, #tpu.memory_space<hbm>>) dst(%arg37 : memref<128x128xf32, #tpu.memory_space<vmem>>)
        %dma_start3A = arith.constant 0 : i32
        %dma_start3A_153 = arith.constant 0 : i32
        %dma_start3A_154 = tpu.memref_slice %arg3[%dma_start3A, %dma_start3A_153] : memref<10000x128xf32, #tpu.memory_space<hbm>> -> memref<10000x128xf32, #tpu.memory_space<hbm>>
        tpu.enqueue_indirect_dma source(%dma_start3A_154 : memref<10000x128xf32, #tpu.memory_space<hbm>>) target(%arg37 : memref<128x128xf32, #tpu.memory_space<vmem>>) offsets(%arg35 : memref<128xi32, #tpu.memory_space<vmem>>) semaphore(%arg40 : memref<!tpu.dma_semaphore, #tpu.memory_space<semaphore_mem>>) {add = true}
      } else {
      }
      %convert_element_type3A_112 = arith.extui %lt3A_44 : i1 to i32
      %cond3A_113 = arith.constant 0 : i32
      %cond3A_114 = arith.cmpi ne, %convert_element_type3A_112, %cond3A_113 : i32
      scf.if %cond3A_114 {
        %dma_wait3A = arith.constant 0 : i32
        %dma_wait3A_151 = arith.constant 0 : i32
        %dma_wait3A_152 = tpu.memref_slice %arg2[%dma_wait3A, %dma_wait3A_151] : memref<10000x128xf32, #tpu.memory_space<hbm>> -> memref<10000x128xf32, #tpu.memory_space<hbm>>
        tpu.wait_indirect_dma semaphore(%arg46 : memref<!tpu.dma_semaphore, #tpu.memory_space<semaphore_mem>>) src(%dma_wait3A_152 : memref<10000x128xf32, #tpu.memory_space<hbm>>) dst(%arg44 : memref<128x128xf32, #tpu.memory_space<vmem>>)
        %dma_start3A = arith.constant 0 : i32
        %dma_start3A_153 = arith.constant 0 : i32
        %dma_start3A_154 = tpu.memref_slice %arg3[%dma_start3A, %dma_start3A_153] : memref<10000x128xf32, #tpu.memory_space<hbm>> -> memref<10000x128xf32, #tpu.memory_space<hbm>>
        tpu.enqueue_indirect_dma source(%dma_start3A_154 : memref<10000x128xf32, #tpu.memory_space<hbm>>) target(%arg44 : memref<128x128xf32, #tpu.memory_space<vmem>>) offsets(%arg42 : memref<128xi32, #tpu.memory_space<vmem>>) semaphore(%arg47 : memref<!tpu.dma_semaphore, #tpu.memory_space<semaphore_mem>>) {add = true}
      } else {
      }
      %convert_element_type3A_115 = arith.extui %lt3A_39 : i1 to i32
      %cond3A_116 = arith.constant 0 : i32
      %cond3A_117 = arith.cmpi ne, %convert_element_type3A_115, %cond3A_116 : i32
      scf.if %cond3A_117 {
        %dma_wait3A = arith.constant 0 : i32
        %dma_wait3A_151 = arith.constant 0 : i32
        %dma_wait3A_152 = tpu.memref_slice %arg3[%dma_wait3A, %dma_wait3A_151] : memref<10000x128xf32, #tpu.memory_space<hbm>> -> memref<10000x128xf32, #tpu.memory_space<hbm>>
        tpu.wait_indirect_dma semaphore(%arg12 : memref<!tpu.dma_semaphore, #tpu.memory_space<semaphore_mem>>) src(%dma_wait3A_152 : memref<10000x128xf32, #tpu.memory_space<hbm>>) dst(%arg9 : memref<128x128xf32, #tpu.memory_space<vmem>>)
        %dma_start3A = arith.constant 0 : i32
        %dma_start3A_153 = tpu.memref_slice %arg6[%mul3A_47, %dma_start3A] : memref<320000x128xf32, #tpu.memory_space<hbm>> -> memref<128x128xf32, #tpu.memory_space<hbm>>
        %dma_start3A_154 = arith.constant 0 : i32
        %dma_start3A_155 = tpu.memref_slice %arg6[%mul3A_47, %dma_start3A_154] : memref<320000x128xf32, #tpu.memory_space<hbm>> -> memref<128x128xf32, #tpu.memory_space<hbm>>
        tpu.enqueue_dma source(%arg9 : memref<128x128xf32, #tpu.memory_space<vmem>>) target(%dma_start3A_155 : memref<128x128xf32, #tpu.memory_space<hbm>>) target_semaphore(%arg13 : memref<!tpu.dma_semaphore, #tpu.memory_space<semaphore_mem>>)
      } else {
      }
      %convert_element_type3A_118 = arith.extui %lt3A_40 : i1 to i32
      %cond3A_119 = arith.constant 0 : i32
      %cond3A_120 = arith.cmpi ne, %convert_element_type3A_118, %cond3A_119 : i32
      scf.if %cond3A_120 {
        %dma_wait3A = arith.constant 0 : i32
        %dma_wait3A_151 = arith.constant 0 : i32
        %dma_wait3A_152 = tpu.memref_slice %arg3[%dma_wait3A, %dma_wait3A_151] : memref<10000x128xf32, #tpu.memory_space<hbm>> -> memref<10000x128xf32, #tpu.memory_space<hbm>>
        tpu.wait_indirect_dma semaphore(%arg19 : memref<!tpu.dma_semaphore, #tpu.memory_space<semaphore_mem>>) src(%dma_wait3A_152 : memref<10000x128xf32, #tpu.memory_space<hbm>>) dst(%arg16 : memref<128x128xf32, #tpu.memory_space<vmem>>)
        %dma_start3A = arith.constant 0 : i32
        %dma_start3A_153 = tpu.memref_slice %arg6[%mul3A_50, %dma_start3A] : memref<320000x128xf32, #tpu.memory_space<hbm>> -> memref<128x128xf32, #tpu.memory_space<hbm>>
        %dma_start3A_154 = arith.constant 0 : i32
        %dma_start3A_155 = tpu.memref_slice %arg6[%mul3A_50, %dma_start3A_154] : memref<320000x128xf32, #tpu.memory_space<hbm>> -> memref<128x128xf32, #tpu.memory_space<hbm>>
        tpu.enqueue_dma source(%arg16 : memref<128x128xf32, #tpu.memory_space<vmem>>) target(%dma_start3A_155 : memref<128x128xf32, #tpu.memory_space<hbm>>) target_semaphore(%arg20 : memref<!tpu.dma_semaphore, #tpu.memory_space<semaphore_mem>>)
      } else {
      }
      %convert_element_type3A_121 = arith.extui %lt3A_41 : i1 to i32
      %cond3A_122 = arith.constant 0 : i32
      %cond3A_123 = arith.cmpi ne, %convert_element_type3A_121, %cond3A_122 : i32
      scf.if %cond3A_123 {
        %dma_wait3A = arith.constant 0 : i32
        %dma_wait3A_151 = arith.constant 0 : i32
        %dma_wait3A_152 = tpu.memref_slice %arg3[%dma_wait3A, %dma_wait3A_151] : memref<10000x128xf32, #tpu.memory_space<hbm>> -> memref<10000x128xf32, #tpu.memory_space<hbm>>
        tpu.wait_indirect_dma semaphore(%arg26 : memref<!tpu.dma_semaphore, #tpu.memory_space<semaphore_mem>>) src(%dma_wait3A_152 : memref<10000x128xf32, #tpu.memory_space<hbm>>) dst(%arg23 : memref<128x128xf32, #tpu.memory_space<vmem>>)
        %dma_start3A = arith.constant 0 : i32
        %dma_start3A_153 = tpu.memref_slice %arg6[%mul3A_53, %dma_start3A] : memref<320000x128xf32, #tpu.memory_space<hbm>> -> memref<128x128xf32, #tpu.memory_space<hbm>>
        %dma_start3A_154 = arith.constant 0 : i32
        %dma_start3A_155 = tpu.memref_slice %arg6[%mul3A_53, %dma_start3A_154] : memref<320000x128xf32, #tpu.memory_space<hbm>> -> memref<128x128xf32, #tpu.memory_space<hbm>>
        tpu.enqueue_dma source(%arg23 : memref<128x128xf32, #tpu.memory_space<vmem>>) target(%dma_start3A_155 : memref<128x128xf32, #tpu.memory_space<hbm>>) target_semaphore(%arg27 : memref<!tpu.dma_semaphore, #tpu.memory_space<semaphore_mem>>)
      } else {
      }
      %convert_element_type3A_124 = arith.extui %lt3A_42 : i1 to i32
      %cond3A_125 = arith.constant 0 : i32
      %cond3A_126 = arith.cmpi ne, %convert_element_type3A_124, %cond3A_125 : i32
      scf.if %cond3A_126 {
        %dma_wait3A = arith.constant 0 : i32
        %dma_wait3A_151 = arith.constant 0 : i32
        %dma_wait3A_152 = tpu.memref_slice %arg3[%dma_wait3A, %dma_wait3A_151] : memref<10000x128xf32, #tpu.memory_space<hbm>> -> memref<10000x128xf32, #tpu.memory_space<hbm>>
        tpu.wait_indirect_dma semaphore(%arg33 : memref<!tpu.dma_semaphore, #tpu.memory_space<semaphore_mem>>) src(%dma_wait3A_152 : memref<10000x128xf32, #tpu.memory_space<hbm>>) dst(%arg30 : memref<128x128xf32, #tpu.memory_space<vmem>>)
        %dma_start3A = arith.constant 0 : i32
        %dma_start3A_153 = tpu.memref_slice %arg6[%mul3A_56, %dma_start3A] : memref<320000x128xf32, #tpu.memory_space<hbm>> -> memref<128x128xf32, #tpu.memory_space<hbm>>
        %dma_start3A_154 = arith.constant 0 : i32
        %dma_start3A_155 = tpu.memref_slice %arg6[%mul3A_56, %dma_start3A_154] : memref<320000x128xf32, #tpu.memory_space<hbm>> -> memref<128x128xf32, #tpu.memory_space<hbm>>
        tpu.enqueue_dma source(%arg30 : memref<128x128xf32, #tpu.memory_space<vmem>>) target(%dma_start3A_155 : memref<128x128xf32, #tpu.memory_space<hbm>>) target_semaphore(%arg34 : memref<!tpu.dma_semaphore, #tpu.memory_space<semaphore_mem>>)
      } else {
      }
      %convert_element_type3A_127 = arith.extui %lt3A_43 : i1 to i32
      %cond3A_128 = arith.constant 0 : i32
      %cond3A_129 = arith.cmpi ne, %convert_element_type3A_127, %cond3A_128 : i32
      scf.if %cond3A_129 {
        %dma_wait3A = arith.constant 0 : i32
        %dma_wait3A_151 = arith.constant 0 : i32
        %dma_wait3A_152 = tpu.memref_slice %arg3[%dma_wait3A, %dma_wait3A_151] : memref<10000x128xf32, #tpu.memory_space<hbm>> -> memref<10000x128xf32, #tpu.memory_space<hbm>>
        tpu.wait_indirect_dma semaphore(%arg40 : memref<!tpu.dma_semaphore, #tpu.memory_space<semaphore_mem>>) src(%dma_wait3A_152 : memref<10000x128xf32, #tpu.memory_space<hbm>>) dst(%arg37 : memref<128x128xf32, #tpu.memory_space<vmem>>)
        %dma_start3A = arith.constant 0 : i32
        %dma_start3A_153 = tpu.memref_slice %arg6[%mul3A_59, %dma_start3A] : memref<320000x128xf32, #tpu.memory_space<hbm>> -> memref<128x128xf32, #tpu.memory_space<hbm>>
        %dma_start3A_154 = arith.constant 0 : i32
        %dma_start3A_155 = tpu.memref_slice %arg6[%mul3A_59, %dma_start3A_154] : memref<320000x128xf32, #tpu.memory_space<hbm>> -> memref<128x128xf32, #tpu.memory_space<hbm>>
        tpu.enqueue_dma source(%arg37 : memref<128x128xf32, #tpu.memory_space<vmem>>) target(%dma_start3A_155 : memref<128x128xf32, #tpu.memory_space<hbm>>) target_semaphore(%arg41 : memref<!tpu.dma_semaphore, #tpu.memory_space<semaphore_mem>>)
      } else {
      }
      %convert_element_type3A_130 = arith.extui %lt3A_44 : i1 to i32
      %cond3A_131 = arith.constant 0 : i32
      %cond3A_132 = arith.cmpi ne, %convert_element_type3A_130, %cond3A_131 : i32
      scf.if %cond3A_132 {
        %dma_wait3A = arith.constant 0 : i32
        %dma_wait3A_151 = arith.constant 0 : i32
        %dma_wait3A_152 = tpu.memref_slice %arg3[%dma_wait3A, %dma_wait3A_151] : memref<10000x128xf32, #tpu.memory_space<hbm>> -> memref<10000x128xf32, #tpu.memory_space<hbm>>
        tpu.wait_indirect_dma semaphore(%arg47 : memref<!tpu.dma_semaphore, #tpu.memory_space<semaphore_mem>>) src(%dma_wait3A_152 : memref<10000x128xf32, #tpu.memory_space<hbm>>) dst(%arg44 : memref<128x128xf32, #tpu.memory_space<vmem>>)
        %dma_start3A = arith.constant 0 : i32
        %dma_start3A_153 = tpu.memref_slice %arg6[%mul3A_62, %dma_start3A] : memref<320000x128xf32, #tpu.memory_space<hbm>> -> memref<128x128xf32, #tpu.memory_space<hbm>>
        %dma_start3A_154 = arith.constant 0 : i32
        %dma_start3A_155 = tpu.memref_slice %arg6[%mul3A_62, %dma_start3A_154] : memref<320000x128xf32, #tpu.memory_space<hbm>> -> memref<128x128xf32, #tpu.memory_space<hbm>>
        tpu.enqueue_dma source(%arg44 : memref<128x128xf32, #tpu.memory_space<vmem>>) target(%dma_start3A_155 : memref<128x128xf32, #tpu.memory_space<hbm>>) target_semaphore(%arg48 : memref<!tpu.dma_semaphore, #tpu.memory_space<semaphore_mem>>)
      } else {
      }
      %convert_element_type3A_133 = arith.extui %lt3A_39 : i1 to i32
      %cond3A_134 = arith.constant 0 : i32
      %cond3A_135 = arith.cmpi ne, %convert_element_type3A_133, %cond3A_134 : i32
      scf.if %cond3A_135 {
        %dma_wait3A = arith.constant 0 : i32
        %dma_wait3A_151 = tpu.memref_slice %arg6[%mul3A_47, %dma_wait3A] : memref<320000x128xf32, #tpu.memory_space<hbm>> -> memref<128x128xf32, #tpu.memory_space<hbm>>
        %dma_wait3A_152 = arith.constant 0 : i32
        %dma_wait3A_153 = tpu.memref_slice %arg6[%mul3A_47, %dma_wait3A_152] : memref<320000x128xf32, #tpu.memory_space<hbm>> -> memref<128x128xf32, #tpu.memory_space<hbm>>
        tpu.wait_dma2 semaphore(%arg13 : memref<!tpu.dma_semaphore, #tpu.memory_space<semaphore_mem>>) src(%arg9 : memref<128x128xf32, #tpu.memory_space<vmem>>) dst(%dma_wait3A_153 : memref<128x128xf32, #tpu.memory_space<hbm>>)
      } else {
      }
      %convert_element_type3A_136 = arith.extui %lt3A_40 : i1 to i32
      %cond3A_137 = arith.constant 0 : i32
      %cond3A_138 = arith.cmpi ne, %convert_element_type3A_136, %cond3A_137 : i32
      scf.if %cond3A_138 {
        %dma_wait3A = arith.constant 0 : i32
        %dma_wait3A_151 = tpu.memref_slice %arg6[%mul3A_50, %dma_wait3A] : memref<320000x128xf32, #tpu.memory_space<hbm>> -> memref<128x128xf32, #tpu.memory_space<hbm>>
        %dma_wait3A_152 = arith.constant 0 : i32
        %dma_wait3A_153 = tpu.memref_slice %arg6[%mul3A_50, %dma_wait3A_152] : memref<320000x128xf32, #tpu.memory_space<hbm>> -> memref<128x128xf32, #tpu.memory_space<hbm>>
        tpu.wait_dma2 semaphore(%arg20 : memref<!tpu.dma_semaphore, #tpu.memory_space<semaphore_mem>>) src(%arg16 : memref<128x128xf32, #tpu.memory_space<vmem>>) dst(%dma_wait3A_153 : memref<128x128xf32, #tpu.memory_space<hbm>>)
      } else {
      }
      %convert_element_type3A_139 = arith.extui %lt3A_41 : i1 to i32
      %cond3A_140 = arith.constant 0 : i32
      %cond3A_141 = arith.cmpi ne, %convert_element_type3A_139, %cond3A_140 : i32
      scf.if %cond3A_141 {
        %dma_wait3A = arith.constant 0 : i32
        %dma_wait3A_151 = tpu.memref_slice %arg6[%mul3A_53, %dma_wait3A] : memref<320000x128xf32, #tpu.memory_space<hbm>> -> memref<128x128xf32, #tpu.memory_space<hbm>>
        %dma_wait3A_152 = arith.constant 0 : i32
        %dma_wait3A_153 = tpu.memref_slice %arg6[%mul3A_53, %dma_wait3A_152] : memref<320000x128xf32, #tpu.memory_space<hbm>> -> memref<128x128xf32, #tpu.memory_space<hbm>>
        tpu.wait_dma2 semaphore(%arg27 : memref<!tpu.dma_semaphore, #tpu.memory_space<semaphore_mem>>) src(%arg23 : memref<128x128xf32, #tpu.memory_space<vmem>>) dst(%dma_wait3A_153 : memref<128x128xf32, #tpu.memory_space<hbm>>)
      } else {
      }
      %convert_element_type3A_142 = arith.extui %lt3A_42 : i1 to i32
      %cond3A_143 = arith.constant 0 : i32
      %cond3A_144 = arith.cmpi ne, %convert_element_type3A_142, %cond3A_143 : i32
      scf.if %cond3A_144 {
        %dma_wait3A = arith.constant 0 : i32
        %dma_wait3A_151 = tpu.memref_slice %arg6[%mul3A_56, %dma_wait3A] : memref<320000x128xf32, #tpu.memory_space<hbm>> -> memref<128x128xf32, #tpu.memory_space<hbm>>
        %dma_wait3A_152 = arith.constant 0 : i32
        %dma_wait3A_153 = tpu.memref_slice %arg6[%mul3A_56, %dma_wait3A_152] : memref<320000x128xf32, #tpu.memory_space<hbm>> -> memref<128x128xf32, #tpu.memory_space<hbm>>
        tpu.wait_dma2 semaphore(%arg34 : memref<!tpu.dma_semaphore, #tpu.memory_space<semaphore_mem>>) src(%arg30 : memref<128x128xf32, #tpu.memory_space<vmem>>) dst(%dma_wait3A_153 : memref<128x128xf32, #tpu.memory_space<hbm>>)
      } else {
      }
      %convert_element_type3A_145 = arith.extui %lt3A_43 : i1 to i32
      %cond3A_146 = arith.constant 0 : i32
      %cond3A_147 = arith.cmpi ne, %convert_element_type3A_145, %cond3A_146 : i32
      scf.if %cond3A_147 {
        %dma_wait3A = arith.constant 0 : i32
        %dma_wait3A_151 = tpu.memref_slice %arg6[%mul3A_59, %dma_wait3A] : memref<320000x128xf32, #tpu.memory_space<hbm>> -> memref<128x128xf32, #tpu.memory_space<hbm>>
        %dma_wait3A_152 = arith.constant 0 : i32
        %dma_wait3A_153 = tpu.memref_slice %arg6[%mul3A_59, %dma_wait3A_152] : memref<320000x128xf32, #tpu.memory_space<hbm>> -> memref<128x128xf32, #tpu.memory_space<hbm>>
        tpu.wait_dma2 semaphore(%arg41 : memref<!tpu.dma_semaphore, #tpu.memory_space<semaphore_mem>>) src(%arg37 : memref<128x128xf32, #tpu.memory_space<vmem>>) dst(%dma_wait3A_153 : memref<128x128xf32, #tpu.memory_space<hbm>>)
      } else {
      }
      %convert_element_type3A_148 = arith.extui %lt3A_44 : i1 to i32
      %cond3A_149 = arith.constant 0 : i32
      %cond3A_150 = arith.cmpi ne, %convert_element_type3A_148, %cond3A_149 : i32
      scf.if %cond3A_150 {
        %dma_wait3A = arith.constant 0 : i32
        %dma_wait3A_151 = tpu.memref_slice %arg6[%mul3A_62, %dma_wait3A] : memref<320000x128xf32, #tpu.memory_space<hbm>> -> memref<128x128xf32, #tpu.memory_space<hbm>>
        %dma_wait3A_152 = arith.constant 0 : i32
        %dma_wait3A_153 = tpu.memref_slice %arg6[%mul3A_62, %dma_wait3A_152] : memref<320000x128xf32, #tpu.memory_space<hbm>> -> memref<128x128xf32, #tpu.memory_space<hbm>>
        tpu.wait_dma2 semaphore(%arg48 : memref<!tpu.dma_semaphore, #tpu.memory_space<semaphore_mem>>) src(%arg44 : memref<128x128xf32, #tpu.memory_space<vmem>>) dst(%dma_wait3A_153 : memref<128x128xf32, #tpu.memory_space<hbm>>)
      } else {
      }
    }
    %scan3A_13 = arith.constant 14 : i32
    return
  }
}

module attributes {stable_mosaic.version = 14 : i64} {
  func.func @_neg_body(%arg0: memref<10000x128xf32, #tpu.memory_space<vmem>>, %arg1: memref<10000x128xf32, #tpu.memory_space<vmem>>) attributes {dimension_semantics = [], scalar_prefetch = 0 : i64, scratch_operands = 0 : i64, tpu.core_type = #tpu.core_type<tc>} {
    %get3A = arith.constant 0 : index
    %get3A_0 = arith.constant 0 : index
    %get3A_1 = vector.load %arg0[%get3A, %get3A_0] : memref<10000x128xf32, #tpu.memory_space<vmem>>, vector<10000x128xf32>
    %neg3A = arith.constant 0.000000e+00 : f32
    %neg3A_2 = vector.broadcast %neg3A : f32 to vector<10000x128xf32>
    %neg3A_3 = arith.subf %neg3A_2, %get3A_1 : vector<10000x128xf32>
    %swap3A = arith.constant 0 : index
    %swap3A_4 = arith.constant 0 : index
    %swap3A_5 = vector.load %arg1[%swap3A, %swap3A_4] : memref<10000x128xf32, #tpu.memory_space<vmem>>, vector<10000x128xf32>
    tpu.vector_store %arg1[%swap3A, %swap3A_4], %neg3A_3 {strides = array<i32>} : memref<10000x128xf32, #tpu.memory_space<vmem>>, vector<10000x128xf32>,
    return
  }
}

</mosaic_0001>

<sc_bundles>
// kernel: kernel.4.cloned.1.call-start
scs
__scs_entry_jumppad:
0x0: {  	(pc) =	sbr.rel $0x88, $3  }
0x1: {  	(tag) =	ssettag $0x0;
	lr =	simm.s32 $0x1  }
0x2: {  	[smem:$0x3F9F] =	sst lr;
	_ =	strace $0xD0000000  }
0x3: {  	_ = 	snop  }
0x4: {  	_ = 	snop  }
0x5: {  	_ = 	snop  }
0x6: {  	_ = 	snop  }
0x7: {  	_ = 	snop  }
__scs_overlays_trampoline_lowered:
0x8: {  	[smem:$0x3FAE] =	sst s0  }
0x9: {  	[smem:$0x3FAF] =	sst s1  }
0xa: {  	[smem:$0x3FB0] =	sst s2  }
0xb: {  	[smem:$0x3FB1] =	sst s3  }
0xc: {  	[smem:$0x3FB2] =	sst s4  }
0xd: {  	[smem:$0x3FB3] =	sst s5  }
0xe: {  	[smem:$0x3FB4] =	sst s6  }
0xf: {  	[smem:$0x3FB5] =	sst s7  }
0x10: {  	[smem:$0x3FB6] =	sst s8  }
0x11: {  	[smem:$0x3FB7] =	sst s9;
	s0 =	simm.s32 @!p0 $0x0  }
0x12: {  	s1 =	sld [smem:$0x3F9D];
	s0 =	simm.s32 @p0 $0x1  }
0x13: {  	[smem:$0x3FB8] =	sst s0;
	s0 =	simm.s32 @!p1 $0x0  }
0x14: {  	s2 =	sld [smem:$0x3F9C];
	s0 =	simm.s32 @p1 $0x1  }
0x15: {  	[smem:$0x3FB9] =	sst s0;
	s0 =	simm.s32 @!p2 $0x0  }
0x16: {  	s3 =	sld [smem:$0x3FDB];
	s0 =	simm.s32 @p2 $0x1  }
0x17: {  	s4 =	simm.s32 $0x1BF5;
	[smem:$0x3FBB] =	sst s0  }
0x18: {  	s0 =	sld [smem:$0x3F9E];
	_ =	swait.ge [sflag:s4], $0x0  }
0x19: {  	s7 =	sld [smem:$0x3F9F]  }
0x1a: {  	s8 =	sadd.s32 $0xFFFFE003, lr  }
0x1b: {  	s9 =	sadd.s32 $0xFFFFFEF7, lr;
	s5 =	simm.s32 $0xFFFFFFFF;
	p2 =	slt.u32 s8, $0xFFFFF086  }
0x1c: {  	p1 =	slt.u32 s9, $0xF7A;
	s5 =	simm.s32 @!p2 $0x0  }
0x1d: {  	s5 =	simm.s32 @p1 $0x1;
	p0 =	seq.s32 s7, s2  }
0x1e: {  	s7 =	smul.u32 @!p0 $0xF7A, s2;
	p2 =	seq.s32 @!p0 s5, $0x0  }
0x1f: {  	s9 =	smul.u32 $0xF7A, s1;
	s8 =	simm.s32 @!p0 $0x1BF5;
	p2 =	por !p2, p0  }
0x20: {  	[sflag:s8] =	ssyncset.s32 @!p0 $0xFFFFF086;
	s6 =	sadd.s32 @!p0 s3, s7;
	s7 =	simm.s32 @!p0 $0x108  }
0x21: {  	s3 =	sadd.s32 s3, s9;
	s6 =	sadd.s32 @!p0 $0x88, s6;
	s7 =	simm.s32 @p2 $0x1082  }
0x22: {  	[simem:s7], [sflag:s8] =	dma.local @!p0 [hbm:s6], $0xF7A  }
0x23: {  	s9 =	sor.u32 $0xD0000000, s2;
	s6 =	simm.s32 $0x108;
	_ =	swait.ge @!p0 [sflag:s8], $0x0  }
0x24: {  	s3 =	sadd.s32 $0x88, s3;
	s6 =	simm.s32 @!p1 $0x1082;
	[sflag:s4] =	ssyncset.s32 $0xFFFFF086  }
0x25: {  	[simem:s6], [sflag:s4] =	dma.local [hbm:s3], $0xF7A  }
0x26: {  	[smem:$0x3F9F] =	sst s1;
	(tag) =	ssettag s2;
	_ =	strace s9  }
0x27: {  	s1 =	sld [smem:$0x3FAF]  }
0x28: {  	s2 =	sld [smem:$0x3FB0]  }
0x29: {  	s4 =	sld [smem:$0x3FB2]  }
0x2a: {  	p0 =	seq.s32 s5, $0x0;
	s5 =	sld [smem:$0x3FB3]  }
0x2b: {  	s6 =	sld [smem:$0x3FB4]  }
0x2c: {  	s7 =	sld [smem:$0x3FB5]  }
0x2d: {  	s3 =	simm.s32 $0x108;
	s8 =	sld [smem:$0x3FB6]  }
0x2e: {  	s3 =	simm.s32 @!p0 $0x1082;
	s9 =	sld [smem:$0x3FB7]  }
0x2f: {  	lr =	sadd.s32 s0, s3;
	s0 =	sld [smem:$0x3FAE]  }
0x30: {  	s3 =	sld [smem:$0x3FB1]  }
0x31: {  	[smem:$0x3FBA] =	sst s10  }
0x32: {  	s10 =	sld [smem:$0x3FB8];
	_ =	sdelay $0x3  }
0x33: {  	p0 =	seq.s32 s10, $0x1;
	s10 =	sld [smem:$0x3FBA];
	_ =	sdelay $0x3  }
0x34: {  	[smem:$0x3FBA] =	sst s10  }
0x35: {  	s10 =	sld [smem:$0x3FB9];
	_ =	sdelay $0x3  }
0x36: {  	p1 =	seq.s32 s10, $0x1;
	s10 =	sld [smem:$0x3FBA];
	_ =	sdelay $0x3  }
0x37: {  	[smem:$0x3FBA] =	sst s10  }
0x38: {  	s10 =	sld [smem:$0x3FBB]  }
0x39: {  	_ = 	snop;
	(pc) =	sbr.ind lr, $3  }
0x3a: {  	_ = 	snop  }
0x3b: {  	_ = 	snop  }
0x3c: {  	p2 =	seq.s32 s10, $0x1;
	s10 =	sld [smem:$0x3FBA]  }
0x3d: {  	_ =	shalt  }
0x3e: {  	_ =	shalt  }
0x3f: {  	_ =	shalt  }
0x40: {  	_ =	shalt  }
0x41: {  	_ =	shalt  }
0x42: {  	_ =	shalt  }
0x43: {  	_ =	shalt  }
0x44: {  	_ =	shalt  }
0x45: {  	_ =	shalt  }
0x46: {  	_ =	shalt  }
0x47: {  	_ =	shalt  }
0x48: {  	_ =	shalt  }
0x49: {  	_ =	shalt  }
0x4a: {  	_ =	shalt  }
0x4b: {  	_ =	shalt  }
0x4c: {  	_ =	shalt  }
0x4d: {  	_ =	shalt  }
0x4e: {  	_ =	shalt  }
0x4f: {  	_ =	shalt  }
0x50: {  	_ =	shalt  }
0x51: {  	_ =	shalt  }
0x52: {  	_ =	shalt  }
0x53: {  	_ =	shalt  }
0x54: {  	_ =	shalt  }
0x55: {  	_ =	shalt  }
0x56: {  	_ =	shalt  }
0x57: {  	_ =	shalt  }
0x58: {  	_ =	shalt  }
0x59: {  	_ =	shalt  }
0x5a: {  	_ =	shalt  }
0x5b: {  	_ =	shalt  }
0x5c: {  	_ =	shalt  }
0x5d: {  	_ =	shalt  }
0x5e: {  	_ =	shalt  }
0x5f: {  	_ =	shalt  }
0x60: {  	_ =	shalt  }
0x61: {  	_ =	shalt  }
0x62: {  	_ =	shalt  }
0x63: {  	_ =	shalt  }
0x64: {  	_ =	shalt  }
0x65: {  	_ =	shalt  }
0x66: {  	_ =	shalt  }
0x67: {  	_ =	shalt  }
0x68: {  	_ =	shalt  }
0x69: {  	_ =	shalt  }
0x6a: {  	_ =	shalt  }
0x6b: {  	_ =	shalt  }
0x6c: {  	_ =	shalt  }
0x6d: {  	_ =	shalt  }
0x6e: {  	_ =	shalt  }
0x6f: {  	_ =	shalt  }
0x70: {  	_ =	shalt  }
0x71: {  	_ =	shalt  }
0x72: {  	_ =	shalt  }
0x73: {  	_ =	shalt  }
0x74: {  	_ =	shalt  }
0x75: {  	_ =	shalt  }
0x76: {  	_ =	shalt  }
0x77: {  	_ =	shalt  }
0x78: {  	_ =	shalt  }
0x79: {  	_ =	shalt  }
0x7a: {  	_ =	shalt  }
0x7b: {  	_ =	shalt  }
0x7c: {  	_ =	shalt  }
0x7d: {  	_ =	shalt  }
0x7e: {  	_ =	shalt  }
0x7f: {  	_ =	shalt  }
0x80: {  	_ =	shalt  }
0x81: {  	_ =	shalt  }
0x82: {  	_ =	shalt  }
0x83: {  	_ =	shalt  }
0x84: {  	_ =	shalt  }
0x85: {  	_ =	shalt  }
0x86: {  	_ =	shalt  }
0x87: {  	_ =	shalt  }
.Lfunc_end0:
.L_simem_size_0:
called_computation_lowered:
.L_overlay_start_0:
0x88: {  	s2 =	sld [smem:$0x3FD9]  }
0x89: {  	s3 =	sld [smem:$0x3FFE];
	_ =	sdelay $0x1  }
0x8a: {  	s1 =	srdreg.scid  }
0x8b: {  	s0 =	sand.u32 $0x1, s1  }
0x8c: {  	s17 =	sshll.u32 s0, $0xA;
	s2 =	sadd.s32 s3, s2  }
0x8d: {  	s2 =	sadd.s32 s2, s17  }
0x8e: {  	[smem:$0x3FC6] =	sst s2  }
0x8f: {  	_ = 	snop  }
0x90: {  	s2 =	sld [smem:$0x3FC9]  }
0x91: {  	s18 =	sld [smem:$0x3FD0];
	(tm) =	ssettm $0x1  }
0x92: {  	s4 =	sld [smem:$0x3FFB];
	_ =	sdelay $0x3  }
0x93: {  	_ =	strace s4  }
0x94: {  	s4 =	sld [smem:$0x3FFC];
	_ =	sdelay $0x3  }
0x95: {  	_ =	strace s4  }
0x96: {  	s4 =	sld [smem:$0x3FFD];
	_ =	sdelay $0x3  }
0x97: {  	_ =	strace s4  }
0x98: {  	_ =	strace $0x8FFFFFFF  }
0x99: {  	s19 =	sld [smem:$0x3FDB];
	_ =	sdelay $0x1  }
0x9a: {  	s5 =	simm.s32 $_scs_section_size  }
0x9b: {  	s6 =	simm.s32 $_size__tile_overlayer_lowered;
	s7 =	simm.s32 $_tile_overlayer_lowered  }
0x9c: {  	s22 =	simm.s32 $0x1BFF;
	s21 =	sshll.u32 s7, $0x1;
	s4 =	sadd.s32 s5, s19  }
0x9d: {  	s8 =	simm.s32 $0x0;
	s20 =	sshll.u32 s6, $0x1;
	s6 =	sadd.s32 s21, s4  }
0x9e: {  	[timem:s8], [sflag:s22] =	dma.local [hbm:s6], s20  }
0x9f: {  	_ =	swait.ge [sflag:s22], s20  }
0xa0: {  	s5 =	ssub.s32 $0x0, s20;
	[sflag:s22] =	ssyncset.done $0x0  }
0xa1: {  	[sflag:s22] =	ssyncadd.s32 s5;
	_ =	sdelay $0x1  }
0xa2: {  	s23 =	simm.s32 $0x1B8B  }
0xa3: {  	_ =	swait.ge [sflag:s23], $0x1  }
0xa4: {  	[sflag:s23] =	ssyncset.done $0x0  }
0xa5: {  	s25 =	simm.s32 $0x1B8E;
	s24 =	sld [smem:$0x3FFE];
	[sflag:s23] =	ssyncadd.s32 $0xFFFFFFFF  }
0xa6: {  	s26 =	simm.s32 $execute0_lowered;
	[smem:$0x3FD2] =	sst s25  }
0xa7: {  	s6 =	sshll.u32 s26, $0x1;
	_ =	strace $0x80000046;
	[dreg:$0x1] =	wrdreg $0xFFFFFFFF  }
0xa8: {  	s28 =	simm.s32 $_size_execute0_lowered;
	s4 =	sadd.s32 s4, s6;
	[dreg:$0x0] =	wrdreg $0x0  }
0xa9: {  	s6 =	sshll.u32 s28, $0x1;
	[dreg:$0x2] =	wrdreg s4  }
0xaa: {  	[dreg:$0x3] =	wrdreg s6  }
0xab: {  	[dreg:$0x4] =	wrdreg $0xC0  }
0xac: {  	_ =	task [dreg:s8], $0x5FFFF  }
0xad: {  	[dreg:$0x1] =	wrdreg $0xFFFFFFFF  }
0xae: {  	[dreg:$0x0] =	wrdreg $0x60  }
0xaf: {  	[dreg:$0x2] =	wrdreg s2  }
0xb0: {  	[dreg:$0x3] =	wrdreg s24  }
0xb1: {  	[dreg:$0x4] =	wrdreg s18  }
0xb2: {  	[dreg:$0x5] =	wrdreg $0x9  }
0xb3: {  	_ =	task.clear_ibuf [dreg:s8], $0x6FFFF;
	_ =	strace $0x90000046  }
0xb4: {  	s29 =	simm.s32 $0x9;
	_ =	strace $0x80000048  }
0xb5: {  	_ =	swait.ge [sflag:s29], $0x1  }
0xb6: {  	[sflag:s29] =	ssyncadd.s32 $0xFFFFFFFF  }
0xb7: {  	_ =	strace $0x90000048  }
0xb8: {  	_ =	sfence  }
0xb9: {  	s30 =	sld [smem:$0x0];
	_ =	sdelay $0x2  }
0xba: {  	s31 =	sshll.u32 s1, $0xD;
	s1 =	sshrl.u32 s1, $0x2  }
0xbb: {  	s3 =	sand.u32 $0x4000, s31;
	s1 =	sadd.s32 s1, s30  }
0xbc: {  	s0 =	sor.u32 s3, s0;
	s1 =	sshll.u32 s1, $0x11  }
0xbd: {  	s0 =	sor.u32 s1, s0  }
0xbe: {  	s0 =	sadd.s32 $0x8F2B, s0  }
0xbf: {  	[sflag:s0] =	ssyncadd.remote.s32 $0x1  }
0xc0: {  	_ =	sfence.sel $0xFFFF  }
0xc1: {  	[dreg:$0x0] =	wrdreg $0xFFFFFFFF;
	(pc) =	sbr.abs _section_cstart, $3  }
0xc2: {  	[dreg:$0x1] =	wrdreg $0xFFFFFFFF  }
0xc3: {  	_ =	task.clear_ibuf [dreg:s8], $0x2FFFF;
	_ =	strace $0x9FFFFFFF  }
0xc4: {  	(tm) =	ssettm $0x7FFFFFFF  }
0xc5: {  	_ =	shalt  }
tec
execute0_lowered:
.L_overlay_start_1:
0x0: {  	(tag) =	ssettag $0x1  }
0x1: {  	s0 =	srdreg.scid  }
0x2: {  	s8 =	stileid.u32;
	s1 =	rddreg [dreg:$0x1]  }
0x3: {  	s3 =	rddreg [dreg:$0x2];
	s9 =	simm.s32 $0x0;
	s0 =	sand.u32 $0x1, s0  }
0x4: {  	s2 =	smul.u32 $0x9C, s8;
	s4 =	sshll.u32 s8, $0x1;
	[smem:$0x7FF] =	sst s9  }
0x5: {  	s31 =	sadd.s32 $0x13C00, s1;
	s7 =	sadd.s32 $0x9E00, s1;
	s5 =	smul.u32 $0x4E, s0  }
0x6: {  	p0 =	slt.u32 s8, $0x2;
	s4 =	sor.u32 s0, s4;
	s0 =	ssub.s32 $0x2, s0  }
0x7: {  	_ =	strace $0x80000047;
	s2 =	sadd.s32 s5, s2;
	s5 =	sshrl.u32 s0, $0x1  }
0x8: {  	s4 =	smin.u32 s4, $0x4;
	s0 =	ssub.s32 s0, s5;
	s5 =	simm.s32 $0x4F  }
0x9: {  	[dreg:$0x10] =	wrdreg s31;
	s2 =	sadd.s32 s4, s2;
	s5 =	simm.s32 @!p0 $0x4E  }
0xa: {  	s6 =	sshll.u32 s2, $0x4;
	s0 =	smax.u32 s0, $0x1;
	[dreg:$0x11] =	wrdreg s5  }
0xb: {  	[dreg:$0x13] =	wrdreg s0;
	s12 =	sadd.s32 s6, s7  }
0xc: {  	s2 =	sshll.u32 s2, $0xB;
	s13 =	sadd.s32 s6, s1;
	[dreg:$0x4] =	wrdreg s12  }
0xd: {  	s10 =	sadd.s32 $0x10, s6;
	s3 =	sadd.s32 s2, s3;
	[dreg:$0x5] =	wrdreg s13  }
0xe: {  	s11 =	sadd.s32 s10, s7;
	[dreg:$0x14] =	wrdreg s3  }
0xf: {  	s14 =	sadd.s32 $0x50, s6;
	s4 =	sadd.s32 s10, s1;
	[dreg:$0x6] =	wrdreg s11  }
0x10: {  	s15 =	sadd.s32 s14, s7;
	[dreg:$0x7] =	wrdreg s4  }
0x11: {  	s17 =	sadd.s32 $0x40, s6;
	s16 =	sadd.s32 s14, s1;
	[dreg:$0xe] =	wrdreg s15  }
0x12: {  	s18 =	sadd.s32 s17, s7;
	[dreg:$0xf] =	wrdreg s16  }
0x13: {  	s21 =	sadd.s32 $0x800, s3;
	[dreg:$0xc] =	wrdreg s18  }
0x14: {  	s20 =	sadd.s32 $0x30, s6;
	s19 =	sadd.s32 s17, s1;
	[dreg:$0x15] =	wrdreg s21  }
0x15: {  	s22 =	sadd.s32 s20, s7;
	[dreg:$0xd] =	wrdreg s19  }
0x16: {  	s25 =	sadd.s32 $0x2800, s3;
	[dreg:$0xa] =	wrdreg s22  }
0x17: {  	s23 =	sadd.s32 s20, s1;
	[dreg:$0x16] =	wrdreg s25  }
0x18: {  	s24 =	sadd.s32 $0x20, s6;
	s28 =	sadd.s32 $0x2000, s3;
	[dreg:$0xb] =	wrdreg s23  }
0x19: {  	s26 =	sadd.s32 s24, s7;
	[dreg:$0x17] =	wrdreg s28  }
0x1a: {  	s30 =	sadd.s32 $0x1800, s3;
	[dreg:$0x8] =	wrdreg s26  }
0x1b: {  	s31 =	sadd.s32 $0x1000, s3;
	[dreg:$0x18] =	wrdreg s30  }
0x1c: {  	s29 =	sadd.s32 s24, s1;
	[dreg:$0x19] =	wrdreg s31  }
0x1d: {  	[dreg:$0x9] =	wrdreg s29  }
.LBB2_1:
0x1e: {  	[dreg:$0x12] =	wrdreg s9  }
0x1f: {  	s5 =	rddreg [dreg:$0x11]  }
0x20: {  	s1 =	rddreg [dreg:$0x4]  }
0x21: {  	s2 =	rddreg [dreg:$0x5]  }
0x22: {  	s3 =	rddreg [dreg:$0xd]  }
0x23: {  	s4 =	rddreg [dreg:$0x6]  }
0x24: {  	s9 =	rddreg [dreg:$0xb]  }
0x25: {  	s14 =	rddreg [dreg:$0xe]  }
0x26: {  	p5 =	sle.u32 s5, $0x0;
	p4 =	sle.u32 s5, $0x1;
	p1 =	sle.u32 s5, $0x3  }
0x27: {  	p2 =	sle.u32 s5, $0x2;
	p0 =	sle.u32 s5, $0x5;
	p3 =	sle.u32 s5, $0x4  }
0x28: {  	s12 =	simm.s32 @!p5 $0x80;
	s0 =	simm.s32 @!p5 $0x0;
	s1 =	sadd.s32 @!p5 $0x0, s1  }
0x29: {  	[tilespmem:s0], [sflag:$0x1] =	stream.linear.gather @!p5 [hbm4b:s1+s0], $0x80, $0x38;
	[tilespmem:$0x18600] =	vst v63  }
0x2a: {  	s7 =	simm.s32 @!p4 $0x4100;
	s15 =	simm.s32 @!p4 $0x0;
	s1 =	sadd.s32 @!p5 $0x0, s2  }
0x2b: {  	[tilespmem:s12], [sflag:$0x1] =	stream.linear.gather @!p5 [hbm4b:s1+s0], $0x80, $0x38;
	[tilespmem:$0x18600] =	vst v63  }
0x2c: {  	s13 =	simm.s32 @!p2 $0x8200;
	s2 =	rddreg [dreg:$0x7];
	s1 =	sadd.s32 @!p4 $0x0, s4  }
0x2d: {  	[tilespmem:s7], [sflag:$0x5] =	stream.linear.gather @!p4 [hbm4b:s1+s15], $0x80, $0x38;
	[tilespmem:$0x18600] =	vst v63  }
0x2e: {  	s16 =	simm.s32 @!p4 $0x4180;
	s2 =	sadd.s32 @!p4 $0x0, s2;
	s4 =	rddreg [dreg:$0x8]  }
0x2f: {  	[tilespmem:s16], [sflag:$0x5] =	stream.linear.gather @!p4 [hbm4b:s2+s15], $0x80, $0x38;
	[tilespmem:$0x18600] =	vst v63  }
0x30: {  	s6 =	simm.s32 @!p2 $0x0;
	s1 =	rddreg [dreg:$0x9];
	s2 =	sadd.s32 @!p2 $0x0, s4  }
0x31: {  	[tilespmem:s13], [sflag:$0x9] =	stream.linear.gather @!p2 [hbm4b:s2+s6], $0x80, $0x38;
	[tilespmem:$0x18600] =	vst v63  }
0x32: {  	s1 =	sadd.s32 @!p2 $0x0, s1;
	s4 =	rddreg [dreg:$0xa];
	s2 =	simm.s32 @!p2 $0x8280  }
0x33: {  	[tilespmem:s2], [sflag:$0x9] =	stream.linear.gather @!p2 [hbm4b:s1+s6], $0x80, $0x38;
	[tilespmem:$0x18600] =	vst v63  }
0x34: {  	s10 =	simm.s32 @!p1 $0xC300;
	s8 =	simm.s32 @!p1 $0x0;
	s1 =	sadd.s32 @!p1 $0x0, s4  }
0x35: {  	[tilespmem:s10], [sflag:$0xD] =	stream.linear.gather @!p1 [hbm4b:s1+s8], $0x80, $0x38;
	[tilespmem:$0x18600] =	vst v63  }
0x36: {  	s18 =	simm.s32 @!p1 $0xC380;
	s4 =	rddreg [dreg:$0xc];
	s1 =	sadd.s32 @!p1 $0x0, s9  }
0x37: {  	[tilespmem:s18], [sflag:$0xD] =	stream.linear.gather @!p1 [hbm4b:s1+s8], $0x80, $0x38;
	[tilespmem:$0x18600] =	vst v63  }
0x38: {  	s4 =	sadd.s32 @!p3 $0x0, s4;
	s9 =	simm.s32 @!p3 $0x0;
	s1 =	simm.s32 @!p3 $0x10400  }
0x39: {  	[tilespmem:s1], [sflag:$0x11] =	stream.linear.gather @!p3 [hbm4b:s4+s9], $0x80, $0x38;
	[tilespmem:$0x18600] =	vst v63  }
0x3a: {  	s19 =	simm.s32 @!p3 $0x10480;
	s3 =	sadd.s32 @!p3 $0x0, s3;
	s11 =	simm.s32 @!p0 $0x0  }
0x3b: {  	[tilespmem:s19], [sflag:$0x11] =	stream.linear.gather @!p3 [hbm4b:s3+s9], $0x80, $0x38;
	[tilespmem:$0x18600] =	vst v63  }
0x3c: {  	s14 =	sadd.s32 @!p0 $0x0, s14;
	s4 =	rddreg [dreg:$0xf];
	s3 =	simm.s32 @!p0 $0x14500  }
0x3d: {  	[tilespmem:s3], [sflag:$0x15] =	stream.linear.gather @!p0 [hbm4b:s14+s11], $0x80, $0x38;
	[tilespmem:$0x18600] =	vst v63  }
0x3e: {  	s20 =	simm.s32 @!p0 $0x14580;
	s4 =	sadd.s32 @!p0 $0x0, s4;
	s14 =	simm.s32 @!p5 $0x1  }
0x3f: {  	[tilespmem:s20], [sflag:$0x15] =	stream.linear.gather @!p0 [hbm4b:s4+s11], $0x80, $0x38;
	[tilespmem:$0x18600] =	vst v63  }
0x40: {  	_ =	swait.ge @!p5 [sflag:s14], $0x80  }
0x41: {  	[sflag:s14] =	ssyncset.done @!p5 $0x0  }
0x42: {  	[sflag:s14] =	ssyncadd.s32 @!p5 $0xFFFFFF80  }
0x43: {  	_ =	swait.ge @!p5 [sflag:s14], $0x80  }
0x44: {  	[sflag:s14] =	ssyncset.done @!p5 $0x0  }
0x45: {  	[sflag:s14] =	ssyncadd.s32 @!p5 $0xFFFFFF80  }
0x46: {  	s17 =	simm.s32 @!p4 $0x5;
	s4 =	simm.s32 @!p5 $0x100;
	s5 =	rddreg [dreg:$0x0]  }
0x47: {  	[tilespmem:s4], [sflag:$0x2] =	stream.indirect.gather @!p5 [hbm4b:s5+s12], $0x80, s12, s12, $0xb8;
	[tilespmem:$0x18600] =	vst v63  }
0x48: {  	_ =	swait.ge @!p4 [sflag:s17], $0x80  }
0x49: {  	[sflag:s17] =	ssyncset.done @!p4 $0x0  }
0x4a: {  	[sflag:s17] =	ssyncadd.s32 @!p4 $0xFFFFFF80  }
0x4b: {  	_ =	swait.ge @!p4 [sflag:s17], $0x80  }
0x4c: {  	s21 =	simm.s32 @!p2 $0x9;
	[sflag:s17] =	ssyncset.done @!p4 $0x0  }
0x4d: {  	s22 =	simm.s32 @!p4 $0x80;
	s14 =	simm.s32 @!p4 $0x4200;
	[sflag:s17] =	ssyncadd.s32 @!p4 $0xFFFFFF80  }
0x4e: {  	[tilespmem:s14], [sflag:$0x6] =	stream.indirect.gather @!p4 [hbm4b:s5+s22], $0x80, s16, s22, $0xb8;
	[tilespmem:$0x18600] =	vst v63  }
0x4f: {  	_ =	swait.ge @!p2 [sflag:s21], $0x80  }
0x50: {  	[sflag:s21] =	ssyncset.done @!p2 $0x0  }
0x51: {  	[sflag:s21] =	ssyncadd.s32 @!p2 $0xFFFFFF80  }
0x52: {  	_ =	swait.ge @!p2 [sflag:s21], $0x80  }
0x53: {  	s23 =	simm.s32 @!p1 $0xD;
	[sflag:s21] =	ssyncset.done @!p2 $0x0  }
0x54: {  	s16 =	simm.s32 @!p2 $0x8300;
	[sflag:s21] =	ssyncadd.s32 @!p2 $0xFFFFFF80;
	s21 =	simm.s32 @!p2 $0x80  }
0x55: {  	[tilespmem:s16], [sflag:$0xA] =	stream.indirect.gather @!p2 [hbm4b:s5+s21], $0x80, s2, s21, $0xb8;
	[tilespmem:$0x18600] =	vst v63  }
0x56: {  	_ =	swait.ge @!p1 [sflag:s23], $0x80  }
0x57: {  	[sflag:s23] =	ssyncset.done @!p1 $0x0  }
0x58: {  	[sflag:s23] =	ssyncadd.s32 @!p1 $0xFFFFFF80  }
0x59: {  	_ =	swait.ge @!p1 [sflag:s23], $0x80  }
0x5a: {  	s24 =	simm.s32 @!p1 $0x80;
	[sflag:s23] =	ssyncset.done @!p1 $0x0  }
0x5b: {  	s17 =	simm.s32 @!p1 $0xC400;
	[sflag:s23] =	ssyncadd.s32 @!p1 $0xFFFFFF80;
	s23 =	simm.s32 @!p3 $0x11  }
0x5c: {  	[tilespmem:s17], [sflag:$0xE] =	stream.indirect.gather @!p1 [hbm4b:s5+s24], $0x80, s18, s24, $0xb8;
	[tilespmem:$0x18600] =	vst v63  }
0x5d: {  	_ =	swait.ge @!p3 [sflag:s23], $0x80  }
0x5e: {  	[sflag:s23] =	ssyncset.done @!p3 $0x0  }
0x5f: {  	[sflag:s23] =	ssyncadd.s32 @!p3 $0xFFFFFF80  }
0x60: {  	_ =	swait.ge @!p3 [sflag:s23], $0x80  }
0x61: {  	s25 =	simm.s32 @!p3 $0x80;
	[sflag:s23] =	ssyncset.done @!p3 $0x0  }
0x62: {  	s2 =	simm.s32 @!p3 $0x10500;
	[sflag:s23] =	ssyncadd.s32 @!p3 $0xFFFFFF80;
	s23 =	simm.s32 @!p0 $0x15  }
0x63: {  	[tilespmem:s2], [sflag:$0x12] =	stream.indirect.gather @!p3 [hbm4b:s5+s25], $0x80, s19, s25, $0xb8;
	[tilespmem:$0x18600] =	vst v63  }
0x64: {  	_ =	swait.ge @!p0 [sflag:s23], $0x80  }
0x65: {  	[sflag:s23] =	ssyncset.done @!p0 $0x0  }
0x66: {  	[sflag:s23] =	ssyncadd.s32 @!p0 $0xFFFFFF80  }
0x67: {  	_ =	swait.ge @!p0 [sflag:s23], $0x80  }
0x68: {  	[sflag:s23] =	ssyncset.done @!p0 $0x0  }
0x69: {  	s18 =	simm.s32 @!p0 $0x14600;
	s19 =	simm.s32 @!p0 $0x80;
	[sflag:s23] =	ssyncadd.s32 @!p0 $0xFFFFFF80  }
0x6a: {  	[tilespmem:s18], [sflag:$0x16] =	stream.indirect.gather @!p0 [hbm4b:s5+s19], $0x80, s20, s19, $0xb8;
	[tilespmem:$0x18600] =	vst v63  }
0x6b: {  	s20 =	simm.s32 @!p5 $0x2  }
0x6c: {  	_ =	swait.ge @!p5 [sflag:s20], $0x4000  }
0x6d: {  	[sflag:s20] =	ssyncset.done @!p5 $0x0  }
0x6e: {  	s5 =	rddreg [dreg:$0x10];
	[sflag:s20] =	ssyncadd.s32 @!p5 $0xFFFFC000  }
0x6f: {  	[tilespmem:s4], [sflag:$0x3] =	stream.indirect.gather.add.f32 @!p5 [hbm:s5], $0x80, s0, s12, $0xb8;
	[tilespmem:$0x18600] =	vst v63  }
0x70: {  	s12 =	simm.s32 @!p4 $0x6  }
0x71: {  	_ =	swait.ge @!p4 [sflag:s12], $0x4000  }
0x72: {  	[sflag:s12] =	ssyncset.done @!p4 $0x0  }
0x73: {  	[sflag:s12] =	ssyncadd.s32 @!p4 $0xFFFFC000  }
0x74: {  	[tilespmem:s14], [sflag:$0x7] =	stream.indirect.gather.add.f32 @!p4 [hbm:s5], $0x80, s7, s22, $0xb8;
	[tilespmem:$0x18600] =	vst v63  }
0x75: {  	s7 =	simm.s32 @!p2 $0xA  }
0x76: {  	_ =	swait.ge @!p2 [sflag:s7], $0x4000  }
0x77: {  	[sflag:s7] =	ssyncset.done @!p2 $0x0  }
0x78: {  	[sflag:s7] =	ssyncadd.s32 @!p2 $0xFFFFC000;
	s7 =	simm.s32 @!p1 $0xE  }
0x79: {  	[tilespmem:s16], [sflag:$0xB] =	stream.indirect.gather.add.f32 @!p2 [hbm:s5], $0x80, s13, s21, $0xb8;
	[tilespmem:$0x18600] =	vst v63  }
0x7a: {  	_ =	swait.ge @!p1 [sflag:s7], $0x4000  }
0x7b: {  	[sflag:s7] =	ssyncset.done @!p1 $0x0  }
0x7c: {  	[sflag:s7] =	ssyncadd.s32 @!p1 $0xFFFFC000;
	s7 =	simm.s32 @!p3 $0x12  }
0x7d: {  	[tilespmem:s17], [sflag:$0xF] =	stream.indirect.gather.add.f32 @!p1 [hbm:s5], $0x80, s10, s24, $0xb8;
	[tilespmem:$0x18600] =	vst v63  }
0x7e: {  	_ =	swait.ge @!p3 [sflag:s7], $0x4000  }
0x7f: {  	[sflag:s7] =	ssyncset.done @!p3 $0x0  }
0x80: {  	[sflag:s7] =	ssyncadd.s32 @!p3 $0xFFFFC000  }
0x81: {  	[tilespmem:s2], [sflag:$0x13] =	stream.indirect.gather.add.f32 @!p3 [hbm:s5], $0x80, s1, s25, $0xb8;
	[tilespmem:$0x18600] =	vst v63  }
0x82: {  	s1 =	simm.s32 @!p0 $0x16  }
0x83: {  	_ =	swait.ge @!p0 [sflag:s1], $0x4000  }
0x84: {  	[sflag:s1] =	ssyncset.done @!p0 $0x0  }
0x85: {  	[sflag:s1] =	ssyncadd.s32 @!p0 $0xFFFFC000;
	s1 =	simm.s32 @!p5 $0x3  }
0x86: {  	[tilespmem:s18], [sflag:$0x17] =	stream.indirect.gather.add.f32 @!p0 [hbm:s5], $0x80, s3, s19, $0xb8;
	[tilespmem:$0x18600] =	vst v63  }
0x87: {  	_ =	swait.ge @!p5 [sflag:s1], $0x4000  }
0x88: {  	[sflag:s1] =	ssyncset.done @!p5 $0x0  }
0x89: {  	s3 =	rddreg [dreg:$0x14];
	[sflag:s1] =	ssyncadd.s32 @!p5 $0xFFFFC000  }
0x8a: {  	[hbm4b:s3+s0] =	stream.linear.scatter @!p5 [tilespmem:s4], [sflag:$0x4], $0x4000, $0x38;
	[tilespmem:$0x18600] =	vst v63  }
0x8b: {  	s0 =	simm.s32 @!p4 $0x7  }
0x8c: {  	_ =	swait.ge @!p4 [sflag:s0], $0x4000  }
0x8d: {  	[sflag:s0] =	ssyncset.done @!p4 $0x0  }
0x8e: {  	s4 =	rddreg [dreg:$0x15];
	[sflag:s0] =	ssyncadd.s32 @!p4 $0xFFFFC000;
	s0 =	simm.s32 @!p2 $0xB  }
0x8f: {  	[hbm4b:s4+s15] =	stream.linear.scatter @!p4 [tilespmem:s14], [sflag:$0x8], $0x4000, $0x38;
	[tilespmem:$0x18600] =	vst v63  }
0x90: {  	_ =	swait.ge @!p2 [sflag:s0], $0x4000  }
0x91: {  	[sflag:s0] =	ssyncset.done @!p2 $0x0  }
0x92: {  	s1 =	simm.s32 @!p1 $0xF;
	s7 =	rddreg [dreg:$0x19];
	[sflag:s0] =	ssyncadd.s32 @!p2 $0xFFFFC000  }
0x93: {  	[hbm4b:s7+s6] =	stream.linear.scatter @!p2 [tilespmem:s16], [sflag:$0xC], $0x4000, $0x38;
	[tilespmem:$0x18600] =	vst v63  }
0x94: {  	_ =	swait.ge @!p1 [sflag:s1], $0x4000  }
0x95: {  	[sflag:s1] =	ssyncset.done @!p1 $0x0  }
0x96: {  	s0 =	simm.s32 @!p3 $0x13;
	s6 =	rddreg [dreg:$0x18];
	[sflag:s1] =	ssyncadd.s32 @!p1 $0xFFFFC000  }
0x97: {  	[hbm4b:s6+s8] =	stream.linear.scatter @!p1 [tilespmem:s17], [sflag:$0x10], $0x4000, $0x38;
	[tilespmem:$0x18600] =	vst v63  }
0x98: {  	_ =	swait.ge @!p3 [sflag:s0], $0x4000  }
0x99: {  	[sflag:s0] =	ssyncset.done @!p3 $0x0  }
0x9a: {  	s5 =	rddreg [dreg:$0x17];
	[sflag:s0] =	ssyncadd.s32 @!p3 $0xFFFFC000;
	s0 =	simm.s32 @!p0 $0x17  }
0x9b: {  	[hbm4b:s5+s9] =	stream.linear.scatter @!p3 [tilespmem:s2], [sflag:$0x14], $0x4000, $0x38;
	[tilespmem:$0x18600] =	vst v63  }
0x9c: {  	_ =	swait.ge @!p0 [sflag:s0], $0x4000  }
0x9d: {  	[sflag:s0] =	ssyncset.done @!p0 $0x0  }
0x9e: {  	s1 =	simm.s32 @!p5 $0x4;
	s2 =	rddreg [dreg:$0x16];
	[sflag:s0] =	ssyncadd.s32 @!p0 $0xFFFFC000  }
0x9f: {  	[hbm4b:s2+s11] =	stream.linear.scatter @!p0 [tilespmem:s18], [sflag:$0x18], $0x4000, $0x38;
	[tilespmem:$0x18600] =	vst v63  }
0xa0: {  	_ =	swait.ge @!p5 [sflag:s1], $0x4000  }
0xa1: {  	s20 =	simm.s32 $0xC0;
	s21 =	simm.s32 $0x0;
	[sflag:s1] =	ssyncset.done @!p5 $0x0  }
0xa2: {  	s19 =	simm.s32 $0x60;
	s0 =	simm.s32 @!p4 $0x8;
	[sflag:s1] =	ssyncadd.s32 @!p5 $0xFFFFC000  }
0xa3: {  	s16 =	sadd.s32 $0x3000, s7;
	s14 =	sadd.s32 $0x3000, s6;
	_ =	swait.ge @!p4 [sflag:s0], $0x4000  }
0xa4: {  	s17 =	sadd.s32 $0x3000, s4;
	s15 =	sadd.s32 $0x3000, s5;
	[sflag:s0] =	ssyncset.done @!p4 $0x0  }
0xa5: {  	s23 =	sadd.s32 $0x3000, s2;
	s1 =	simm.s32 @!p2 $0xC;
	[sflag:s0] =	ssyncadd.s32 @!p4 $0xFFFFC000  }
0xa6: {  	s18 =	sadd.s32 $0x3000, s3;
	s0 =	simm.s32 @!p1 $0x10;
	_ =	swait.ge @!p2 [sflag:s1], $0x4000  }
.LBB2_2:
0xa7: {  	[sflag:s1] =	ssyncset.done @!p2 $0x0;
	s21 =	sadd.s32 $0x6, s21  }
0xa8: {  	s5 =	rddreg [dreg:$0x11];
	s2 =	simm.s32 @!p0 $0x18;
	[sflag:s1] =	ssyncadd.s32 @!p2 $0xFFFFC000  }
0xa9: {  	p5 =	sge.u32 s21, s5;
	s1 =	simm.s32 @!p3 $0x14;
	_ =	swait.ge @!p1 [sflag:s0], $0x4000  }
0xaa: {  	s26 =	sadd.s32 $0x1, s21;
	s3 =	sadd.s32 $0x3, s21;
	[sflag:s0] =	ssyncset.done @!p1 $0x0  }
0xab: {  	s28 =	sadd.s32 $0x2, s21;
	s29 =	sadd.s32 $0x5, s21;
	[sflag:s0] =	ssyncadd.s32 @!p1 $0xFFFFC000  }
0xac: {  	s31 =	sadd.s32 $0x4, s21;
	s30 =	simm.s32 @!p5 $0x80;
	_ =	swait.ge @!p3 [sflag:s1], $0x4000  }
0xad: {  	s22 =	simm.s32 @!p5 $0x0;
	p2 =	sge.u32 s28, s5;
	[sflag:s1] =	ssyncset.done @!p3 $0x0  }
0xae: {  	p6 =	sge.u32 s26, s5;
	s9 =	simm.s32 @!p2 $0x8200;
	[sflag:s1] =	ssyncadd.s32 @!p3 $0xFFFFC000  }
0xaf: {  	s10 =	simm.s32 @!p6 $0x4180;
	s24 =	simm.s32 @!p6 $0x0;
	_ =	swait.ge @!p0 [sflag:s2], $0x4000  }
0xb0: {  	s11 =	simm.s32 @!p2 $0x8280;
	p1 =	sge.u32 s3, s5;
	s0 =	rddreg [dreg:$0x4]  }
0xb1: {  	s8 =	simm.s32 @!p1 $0xC300;
	[sflag:s2] =	ssyncset.done @!p0 $0x0;
	s1 =	rddreg [dreg:$0x5]  }
0xb2: {  	s3 =	rddreg [dreg:$0xd];
	[sflag:s2] =	ssyncadd.s32 @!p0 $0xFFFFC000;
	s0 =	sadd.s32 @!p5 s19, s0  }
0xb3: {  	[tilespmem:s22], [sflag:$0x1] =	stream.linear.gather @!p5 [hbm4b:s0+s22], $0x80, $0x38;
	[tilespmem:$0x18600] =	vst v63  }
0xb4: {  	s26 =	simm.s32 @!p1 $0x0;
	s4 =	rddreg [dreg:$0x6];
	s1 =	sadd.s32 @!p5 s19, s1  }
0xb5: {  	[tilespmem:s30], [sflag:$0x1] =	stream.linear.gather @!p5 [hbm4b:s1+s22], $0x80, $0x38;
	[tilespmem:$0x18600] =	vst v63  }
0xb6: {  	s2 =	rddreg [dreg:$0x7];
	s0 =	simm.s32 @!p6 $0x4100;
	s1 =	sadd.s32 @!p6 s19, s4  }
0xb7: {  	[tilespmem:s0], [sflag:$0x5] =	stream.linear.gather @!p6 [hbm4b:s1+s24], $0x80, $0x38;
	[tilespmem:$0x18600] =	vst v63  }
0xb8: {  	s12 =	simm.s32 @!p1 $0xC380;
	s4 =	rddreg [dreg:$0x8];
	s1 =	sadd.s32 @!p6 s19, s2  }
0xb9: {  	[tilespmem:s10], [sflag:$0x5] =	stream.linear.gather @!p6 [hbm4b:s1+s24], $0x80, $0x38;
	[tilespmem:$0x18600] =	vst v63  }
0xba: {  	s4 =	sadd.s32 @!p2 s19, s4;
	s2 =	rddreg [dreg:$0x9];
	s0 =	simm.s32 @!p2 $0x0  }
0xbb: {  	[tilespmem:s9], [sflag:$0x9] =	stream.linear.gather @!p2 [hbm4b:s4+s0], $0x80, $0x38;
	[tilespmem:$0x18600] =	vst v63  }
0xbc: {  	p3 =	sge.u32 s31, s5;
	s6 =	rddreg [dreg:$0xa];
	s2 =	sadd.s32 @!p2 s19, s2  }
0xbd: {  	[tilespmem:s11], [sflag:$0x9] =	stream.linear.gather @!p2 [hbm4b:s2+s0], $0x80, $0x38;
	[tilespmem:$0x18600] =	vst v63  }
0xbe: {  	s25 =	simm.s32 @!p3 $0x0;
	s1 =	sadd.s32 @!p1 s19, s6;
	s4 =	rddreg [dreg:$0xb]  }
0xbf: {  	[tilespmem:s8], [sflag:$0xD] =	stream.linear.gather @!p1 [hbm4b:s1+s26], $0x80, $0x38;
	[tilespmem:$0x18600] =	vst v63  }
0xc0: {  	p0 =	sge.u32 s29, s5;
	s2 =	rddreg [dreg:$0xc];
	s1 =	sadd.s32 @!p1 s19, s4  }
0xc1: {  	[tilespmem:s12], [sflag:$0xD] =	stream.linear.gather @!p1 [hbm4b:s1+s26], $0x80, $0x38;
	[tilespmem:$0x18600] =	vst v63  }
0xc2: {  	s5 =	simm.s32 @!p0 $0x14500;
	s6 =	simm.s32 @!p3 $0x10400;
	s2 =	sadd.s32 @!p3 s19, s2  }
0xc3: {  	[tilespmem:s6], [sflag:$0x11] =	stream.linear.gather @!p3 [hbm4b:s2+s25], $0x80, $0x38;
	[tilespmem:$0x18600] =	vst v63  }
0xc4: {  	s4 =	rddreg [dreg:$0xe];
	s1 =	simm.s32 @!p3 $0x10480;
	s2 =	sadd.s32 @!p3 s19, s3  }
0xc5: {  	[tilespmem:s1], [sflag:$0x11] =	stream.linear.gather @!p3 [hbm4b:s2+s25], $0x80, $0x38;
	[tilespmem:$0x18600] =	vst v63  }
0xc6: {  	s29 =	simm.s32 @!p0 $0x0;
	s8 =	rddreg [dreg:$0xf];
	s2 =	sadd.s32 @!p0 s19, s4  }
0xc7: {  	[tilespmem:s5], [sflag:$0x15] =	stream.linear.gather @!p0 [hbm4b:s2+s29], $0x80, $0x38;
	[tilespmem:$0x18600] =	vst v63  }
0xc8: {  	s3 =	simm.s32 @!p0 $0x14580;
	s4 =	simm.s32 @!p5 $0x1;
	s2 =	sadd.s32 @!p0 s19, s8  }
0xc9: {  	[tilespmem:s3], [sflag:$0x15] =	stream.linear.gather @!p0 [hbm4b:s2+s29], $0x80, $0x38;
	[tilespmem:$0x18600] =	vst v63  }
0xca: {  	_ =	swait.ge @!p5 [sflag:s4], $0x80  }
0xcb: {  	[sflag:s4] =	ssyncset.done @!p5 $0x0  }
0xcc: {  	[sflag:s4] =	ssyncadd.s32 @!p5 $0xFFFFFF80  }
0xcd: {  	_ =	swait.ge @!p5 [sflag:s4], $0x80  }
0xce: {  	[sflag:s4] =	ssyncset.done @!p5 $0x0  }
0xcf: {  	[sflag:s4] =	ssyncadd.s32 @!p5 $0xFFFFFF80  }
0xd0: {  	s8 =	simm.s32 @!p5 $0x100;
	s2 =	simm.s32 @!p6 $0x5;
	s13 =	rddreg [dreg:$0x0]  }
0xd1: {  	[tilespmem:s8], [sflag:$0x2] =	stream.indirect.gather @!p5 [hbm4b:s13+s30], $0x80, s30, s30, $0xb8;
	[tilespmem:$0x18600] =	vst v63  }
0xd2: {  	_ =	swait.ge @!p6 [sflag:s2], $0x80  }
0xd3: {  	[sflag:s2] =	ssyncset.done @!p6 $0x0  }
0xd4: {  	[sflag:s2] =	ssyncadd.s32 @!p6 $0xFFFFFF80  }
0xd5: {  	s7 =	smov.u32 s20;
	_ =	swait.ge @!p6 [sflag:s2], $0x80  }
0xd6: {  	s9 =	simm.s32 @!p6 $0x4200;
	s19 =	smov.u32 s7;
	[sflag:s2] =	ssyncset.done @!p6 $0x0  }
0xd7: {  	s7 =	simm.s32 @!p2 $0x9;
	s4 =	simm.s32 @!p6 $0x80;
	[sflag:s2] =	ssyncadd.s32 @!p6 $0xFFFFFF80  }
0xd8: {  	[tilespmem:s9], [sflag:$0x6] =	stream.indirect.gather @!p6 [hbm4b:s13+s4], $0x80, s10, s4, $0xb8;
	[tilespmem:$0x18600] =	vst v63  }
0xd9: {  	_ =	swait.ge @!p2 [sflag:s7], $0x80  }
0xda: {  	[sflag:s7] =	ssyncset.done @!p2 $0x0  }
0xdb: {  	[sflag:s7] =	ssyncadd.s32 @!p2 $0xFFFFFF80  }
0xdc: {  	_ =	swait.ge @!p2 [sflag:s7], $0x80  }
0xdd: {  	s28 =	simm.s32 @!p2 $0x80;
	[sflag:s7] =	ssyncset.done @!p2 $0x0  }
0xde: {  	s2 =	simm.s32 @!p1 $0xD;
	s10 =	simm.s32 @!p2 $0x8300;
	[sflag:s7] =	ssyncadd.s32 @!p2 $0xFFFFFF80  }
0xdf: {  	[tilespmem:s10], [sflag:$0xA] =	stream.indirect.gather @!p2 [hbm4b:s13+s28], $0x80, s11, s28, $0xb8;
	[tilespmem:$0x18600] =	vst v63  }
0xe0: {  	_ =	swait.ge @!p1 [sflag:s2], $0x80  }
0xe1: {  	[sflag:s2] =	ssyncset.done @!p1 $0x0  }
0xe2: {  	[sflag:s2] =	ssyncadd.s32 @!p1 $0xFFFFFF80  }
0xe3: {  	_ =	swait.ge @!p1 [sflag:s2], $0x80  }
0xe4: {  	s31 =	simm.s32 @!p1 $0x80;
	[sflag:s2] =	ssyncset.done @!p1 $0x0  }
0xe5: {  	s7 =	simm.s32 @!p3 $0x11;
	s11 =	simm.s32 @!p1 $0xC400;
	[sflag:s2] =	ssyncadd.s32 @!p1 $0xFFFFFF80  }
0xe6: {  	[tilespmem:s11], [sflag:$0xE] =	stream.indirect.gather @!p1 [hbm4b:s13+s31], $0x80, s12, s31, $0xb8;
	[tilespmem:$0x18600] =	vst v63  }
0xe7: {  	_ =	swait.ge @!p3 [sflag:s7], $0x80  }
0xe8: {  	[sflag:s7] =	ssyncset.done @!p3 $0x0  }
0xe9: {  	[sflag:s7] =	ssyncadd.s32 @!p3 $0xFFFFFF80  }
0xea: {  	_ =	swait.ge @!p3 [sflag:s7], $0x80  }
0xeb: {  	s5 =	simm.s32 @!p0 $0x15;
	[sflag:s7] =	ssyncset.done @!p3 $0x0  }
0xec: {  	s2 =	simm.s32 @!p3 $0x80;
	s12 =	simm.s32 @!p3 $0x10500;
	[sflag:s7] =	ssyncadd.s32 @!p3 $0xFFFFFF80  }
0xed: {  	[tilespmem:s12], [sflag:$0x12] =	stream.indirect.gather @!p3 [hbm4b:s13+s2], $0x80, s1, s2, $0xb8;
	[tilespmem:$0x18600] =	vst v63  }
0xee: {  	_ =	swait.ge @!p0 [sflag:s5], $0x80  }
0xef: {  	[sflag:s5] =	ssyncset.done @!p0 $0x0  }
0xf0: {  	[sflag:s5] =	ssyncadd.s32 @!p0 $0xFFFFFF80  }
0xf1: {  	_ =	swait.ge @!p0 [sflag:s5], $0x80  }
0xf2: {  	s0 =	simm.s32 @!p5 $0x2;
	[sflag:s5] =	ssyncset.done @!p0 $0x0  }
0xf3: {  	s7 =	simm.s32 @!p0 $0x14600;
	s1 =	simm.s32 @!p0 $0x80;
	[sflag:s5] =	ssyncadd.s32 @!p0 $0xFFFFFF80  }
0xf4: {  	[tilespmem:s7], [sflag:$0x16] =	stream.indirect.gather @!p0 [hbm4b:s13+s1], $0x80, s3, s1, $0xb8;
	[tilespmem:$0x18600] =	vst v63  }
0xf5: {  	_ =	swait.ge @!p5 [sflag:s0], $0x4000  }
0xf6: {  	[sflag:s0] =	ssyncset.done @!p5 $0x0  }
0xf7: {  	s3 =	simm.s32 @!p6 $0x6;
	s5 =	rddreg [dreg:$0x10];
	[sflag:s0] =	ssyncadd.s32 @!p5 $0xFFFFC000  }
0xf8: {  	[tilespmem:s8], [sflag:$0x3] =	stream.indirect.gather.add.f32 @!p5 [hbm:s5], $0x80, s22, s30, $0xb8;
	[tilespmem:$0x18600] =	vst v63  }
0xf9: {  	_ =	swait.ge @!p6 [sflag:s3], $0x4000  }
0xfa: {  	[sflag:s3] =	ssyncset.done @!p6 $0x0  }
0xfb: {  	s0 =	simm.s32 @!p2 $0xA;
	[sflag:s3] =	ssyncadd.s32 @!p6 $0xFFFFC000;
	s3 =	simm.s32 @!p6 $0x4100  }
0xfc: {  	[tilespmem:s9], [sflag:$0x7] =	stream.indirect.gather.add.f32 @!p6 [hbm:s5], $0x80, s3, s4, $0xb8;
	[tilespmem:$0x18600] =	vst v63  }
0xfd: {  	_ =	swait.ge @!p2 [sflag:s0], $0x4000  }
0xfe: {  	[sflag:s0] =	ssyncset.done @!p2 $0x0  }
0xff: {  	s3 =	simm.s32 @!p1 $0xE;
	[sflag:s0] =	ssyncadd.s32 @!p2 $0xFFFFC000;
	s0 =	simm.s32 @!p2 $0x8200  }
0x100: {  	[tilespmem:s10], [sflag:$0xB] =	stream.indirect.gather.add.f32 @!p2 [hbm:s5], $0x80, s0, s28, $0xb8;
	[tilespmem:$0x18600] =	vst v63  }
0x101: {  	_ =	swait.ge @!p1 [sflag:s3], $0x4000  }
0x102: {  	[sflag:s3] =	ssyncset.done @!p1 $0x0  }
0x103: {  	s0 =	simm.s32 @!p3 $0x12;
	[sflag:s3] =	ssyncadd.s32 @!p1 $0xFFFFC000;
	s3 =	simm.s32 @!p1 $0xC300  }
0x104: {  	[tilespmem:s11], [sflag:$0xF] =	stream.indirect.gather.add.f32 @!p1 [hbm:s5], $0x80, s3, s31, $0xb8;
	[tilespmem:$0x18600] =	vst v63  }
0x105: {  	_ =	swait.ge @!p3 [sflag:s0], $0x4000  }
0x106: {  	[sflag:s0] =	ssyncset.done @!p3 $0x0  }
0x107: {  	[sflag:s0] =	ssyncadd.s32 @!p3 $0xFFFFC000;
	s0 =	simm.s32 @!p0 $0x16  }
0x108: {  	[tilespmem:s12], [sflag:$0x13] =	stream.indirect.gather.add.f32 @!p3 [hbm:s5], $0x80, s6, s2, $0xb8;
	[tilespmem:$0x18600] =	vst v63  }
0x109: {  	_ =	swait.ge @!p0 [sflag:s0], $0x4000  }
0x10a: {  	[sflag:s0] =	ssyncset.done @!p0 $0x0  }
0x10b: {  	s2 =	simm.s32 @!p5 $0x3;
	[sflag:s0] =	ssyncadd.s32 @!p0 $0xFFFFC000;
	s0 =	simm.s32 @!p0 $0x14500  }
0x10c: {  	[tilespmem:s7], [sflag:$0x17] =	stream.indirect.gather.add.f32 @!p0 [hbm:s5], $0x80, s0, s1, $0xb8;
	[tilespmem:$0x18600] =	vst v63  }
0x10d: {  	_ =	swait.ge @!p5 [sflag:s2], $0x4000  }
0x10e: {  	[sflag:s2] =	ssyncset.done @!p5 $0x0  }
0x10f: {  	s0 =	simm.s32 @!p6 $0x7;
	[sflag:s2] =	ssyncadd.s32 @!p5 $0xFFFFC000  }
0x110: {  	[hbm4b:s18+s22] =	stream.linear.scatter @!p5 [tilespmem:s8], [sflag:$0x4], $0x4000, $0x38;
	[tilespmem:$0x18600] =	vst v63  }
0x111: {  	_ =	swait.ge @!p6 [sflag:s0], $0x4000  }
0x112: {  	[sflag:s0] =	ssyncset.done @!p6 $0x0  }
0x113: {  	s1 =	simm.s32 @!p2 $0xB;
	[sflag:s0] =	ssyncadd.s32 @!p6 $0xFFFFC000  }
0x114: {  	[hbm4b:s17+s24] =	stream.linear.scatter @!p6 [tilespmem:s9], [sflag:$0x8], $0x4000, $0x38;
	[tilespmem:$0x18600] =	vst v63  }
0x115: {  	_ =	swait.ge @!p2 [sflag:s1], $0x4000  }
0x116: {  	[sflag:s1] =	ssyncset.done @!p2 $0x0  }
0x117: {  	s0 =	simm.s32 @!p1 $0xF;
	[sflag:s1] =	ssyncadd.s32 @!p2 $0xFFFFC000;
	s1 =	simm.s32 @!p2 $0x0  }
0x118: {  	[hbm4b:s16+s1] =	stream.linear.scatter @!p2 [tilespmem:s10], [sflag:$0xC], $0x4000, $0x38;
	[tilespmem:$0x18600] =	vst v63  }
0x119: {  	_ =	swait.ge @!p1 [sflag:s0], $0x4000  }
0x11a: {  	[sflag:s0] =	ssyncset.done @!p1 $0x0  }
0x11b: {  	[sflag:s0] =	ssyncadd.s32 @!p1 $0xFFFFC000;
	s0 =	simm.s32 @!p3 $0x13  }
0x11c: {  	[hbm4b:s14+s26] =	stream.linear.scatter @!p1 [tilespmem:s11], [sflag:$0x10], $0x4000, $0x38;
	[tilespmem:$0x18600] =	vst v63  }
0x11d: {  	_ =	swait.ge @!p3 [sflag:s0], $0x4000  }
0x11e: {  	[sflag:s0] =	ssyncset.done @!p3 $0x0  }
0x11f: {  	[sflag:s0] =	ssyncadd.s32 @!p3 $0xFFFFC000;
	s0 =	simm.s32 @!p0 $0x17  }
0x120: {  	[hbm4b:s15+s25] =	stream.linear.scatter @!p3 [tilespmem:s12], [sflag:$0x14], $0x4000, $0x38;
	[tilespmem:$0x18600] =	vst v63  }
0x121: {  	_ =	swait.ge @!p0 [sflag:s0], $0x4000  }
0x122: {  	[sflag:s0] =	ssyncset.done @!p0 $0x0  }
0x123: {  	s1 =	simm.s32 @!p5 $0x4;
	[sflag:s0] =	ssyncadd.s32 @!p0 $0xFFFFC000  }
0x124: {  	[hbm4b:s23+s29] =	stream.linear.scatter @!p0 [tilespmem:s7], [sflag:$0x18], $0x4000, $0x38;
	[tilespmem:$0x18600] =	vst v63  }
0x125: {  	s20 =	sadd.s32 $0x60, s20;
	_ =	swait.ge @!p5 [sflag:s1], $0x4000  }
0x126: {  	p4 =	sne.s32 s20, $0x540;
	[sflag:s1] =	ssyncset.done @!p5 $0x0  }
.Ltmp0:
0x127: {  	s0 =	simm.s32 @!p6 $0x8;
	[sflag:s1] =	ssyncadd.s32 @!p5 $0xFFFFC000;
	(pc) =	sbr.rel @p4 .LBB2_2-.Ltmp0, $4  }
0x128: {  	s18 =	sadd.s32 $0x3000, s18;
	s17 =	sadd.s32 $0x3000, s17;
	_ =	swait.ge @!p6 [sflag:s0], $0x4000  }
0x129: {  	s16 =	sadd.s32 $0x3000, s16;
	s14 =	sadd.s32 $0x3000, s14;
	[sflag:s0] =	ssyncset.done @!p6 $0x0  }
0x12a: {  	s15 =	sadd.s32 $0x3000, s15;
	s1 =	simm.s32 @!p2 $0xC;
	[sflag:s0] =	ssyncadd.s32 @!p6 $0xFFFFC000  }
0x12b: {  	s23 =	sadd.s32 $0x3000, s23;
	s0 =	simm.s32 @!p1 $0x10;
	_ =	swait.ge @!p2 [sflag:s1], $0x4000  }
0x12c: {  	[sflag:s1] =	ssyncset.done @!p2 $0x0;
	s26 =	sadd.s32 $0x6, s21  }
0x12d: {  	s2 =	simm.s32 @!p3 $0x14;
	s4 =	simm.s32 @!p0 $0x18;
	[sflag:s1] =	ssyncadd.s32 @!p2 $0xFFFFC000  }
0x12e: {  	s3 =	sadd.s32 $0x1, s26;
	s5 =	sadd.s32 $0x3, s26;
	_ =	swait.ge @!p1 [sflag:s0], $0x4000  }
0x12f: {  	s28 =	sadd.s32 $0x2, s26;
	s29 =	sadd.s32 $0x5, s26;
	[sflag:s0] =	ssyncset.done @!p1 $0x0  }
0x130: {  	s1 =	sadd.s32 $0x4, s26;
	s12 =	rddreg [dreg:$0x11];
	[sflag:s0] =	ssyncadd.s32 @!p1 $0xFFFFC000  }
0x131: {  	p2 =	sge.u32 s26, s12;
	p1 =	sge.u32 s5, s12;
	_ =	swait.ge @!p3 [sflag:s2], $0x4000  }
0x132: {  	p4 =	sge.u32 s28, s12;
	p5 =	sge.u32 s1, s12;
	[sflag:s2] =	ssyncset.done @!p3 $0x0  }
0x133: {  	s9 =	simm.s32 @!p2 $0x80;
	s0 =	simm.s32 @!p2 $0x0;
	[sflag:s2] =	ssyncadd.s32 @!p3 $0xFFFFC000  }
0x134: {  	s8 =	simm.s32 @!p1 $0xC300;
	s20 =	simm.s32 @!p4 $0x8200;
	_ =	swait.ge @!p0 [sflag:s4], $0x4000  }
0x135: {  	s13 =	simm.s32 @!p4 $0x8280;
	s24 =	simm.s32 @!p1 $0xC380;
	s2 =	rddreg [dreg:$0x4]  }
0x136: {  	p3 =	sge.u32 s3, s12;
	[sflag:s4] =	ssyncset.done @!p0 $0x0;
	s3 =	rddreg [dreg:$0x5]  }
0x137: {  	s6 =	rddreg [dreg:$0x6];
	[sflag:s4] =	ssyncadd.s32 @!p0 $0xFFFFC000;
	s2 =	sadd.s32 @!p2 s19, s2  }
0x138: {  	[tilespmem:s0], [sflag:$0x1] =	stream.linear.gather @!p2 [hbm4b:s2+s0], $0x80, $0x38;
	[tilespmem:$0x18600] =	vst v63  }
0x139: {  	s7 =	simm.s32 @!p3 $0x4100;
	s10 =	rddreg [dreg:$0x8];
	s2 =	sadd.s32 @!p2 s19, s3  }
0x13a: {  	[tilespmem:s9], [sflag:$0x1] =	stream.linear.gather @!p2 [hbm4b:s2+s0], $0x80, $0x38;
	[tilespmem:$0x18600] =	vst v63  }
0x13b: {  	s22 =	simm.s32 @!p3 $0x0;
	s3 =	rddreg [dreg:$0x7];
	s2 =	sadd.s32 @!p3 s19, s6  }
0x13c: {  	[tilespmem:s7], [sflag:$0x5] =	stream.linear.gather @!p3 [hbm4b:s2+s22], $0x80, $0x38;
	[tilespmem:$0x18600] =	vst v63  }
0x13d: {  	s11 =	rddreg [dreg:$0x9];
	s3 =	sadd.s32 @!p3 s19, s3;
	s2 =	simm.s32 @!p3 $0x4180  }
0x13e: {  	[tilespmem:s2], [sflag:$0x5] =	stream.linear.gather @!p3 [hbm4b:s3+s22], $0x80, $0x38;
	[tilespmem:$0x18600] =	vst v63  }
0x13f: {  	s5 =	rddreg [dreg:$0xa];
	s6 =	simm.s32 @!p4 $0x0;
	s3 =	sadd.s32 @!p4 s19, s10  }
0x140: {  	[tilespmem:s20], [sflag:$0x9] =	stream.linear.gather @!p4 [hbm4b:s3+s6], $0x80, $0x38;
	[tilespmem:$0x18600] =	vst v63  }
0x141: {  	s25 =	simm.s32 @!p5 $0x10480;
	s1 =	rddreg [dreg:$0xb];
	s10 =	sadd.s32 @!p4 s19, s11  }
0x142: {  	[tilespmem:s13], [sflag:$0x9] =	stream.linear.gather @!p4 [hbm4b:s10+s6], $0x80, $0x38;
	[tilespmem:$0x18600] =	vst v63  }
0x143: {  	s4 =	rddreg [dreg:$0xd];
	s3 =	sadd.s32 @!p1 s19, s5;
	s10 =	simm.s32 @!p1 $0x0  }
0x144: {  	[tilespmem:s8], [sflag:$0xD] =	stream.linear.gather @!p1 [hbm4b:s3+s10], $0x80, $0x38;
	[tilespmem:$0x18600] =	vst v63  }
0x145: {  	p0 =	sge.u32 s29, s12;
	s1 =	sadd.s32 @!p1 s19, s1;
	s5 =	rddreg [dreg:$0xc]  }
0x146: {  	[tilespmem:s24], [sflag:$0xD] =	stream.linear.gather @!p1 [hbm4b:s1+s10], $0x80, $0x38;
	[tilespmem:$0x18600] =	vst v63  }
0x147: {  	s11 =	simm.s32 @!p5 $0x0;
	s3 =	sadd.s32 @!p5 s19, s5;
	s1 =	simm.s32 @!p5 $0x10400  }
0x148: {  	[tilespmem:s1], [sflag:$0x11] =	stream.linear.gather @!p5 [hbm4b:s3+s11], $0x80, $0x38;
	[tilespmem:$0x18600] =	vst v63  }
0x149: {  	s21 =	simm.s32 @!p0 $0x0;
	s5 =	rddreg [dreg:$0xe];
	s3 =	sadd.s32 @!p5 s19, s4  }
0x14a: {  	[tilespmem:s25], [sflag:$0x11] =	stream.linear.gather @!p5 [hbm4b:s3+s11], $0x80, $0x38;
	[tilespmem:$0x18600] =	vst v63  }
0x14b: {  	s5 =	sadd.s32 @!p0 s19, s5;
	s4 =	rddreg [dreg:$0xf];
	s3 =	simm.s32 @!p0 $0x14500  }
0x14c: {  	[tilespmem:s3], [sflag:$0x15] =	stream.linear.gather @!p0 [hbm4b:s5+s21], $0x80, $0x38;
	[tilespmem:$0x18600] =	vst v63  }
0x14d: {  	s12 =	simm.s32 @!p2 $0x1;
	s4 =	sadd.s32 @!p0 s19, s4;
	s5 =	simm.s32 @!p0 $0x14580  }
0x14e: {  	[tilespmem:s5], [sflag:$0x15] =	stream.linear.gather @!p0 [hbm4b:s4+s21], $0x80, $0x38;
	[tilespmem:$0x18600] =	vst v63  }
0x14f: {  	_ =	swait.ge @!p2 [sflag:s12], $0x80  }
0x150: {  	[sflag:s12] =	ssyncset.done @!p2 $0x0  }
0x151: {  	[sflag:s12] =	ssyncadd.s32 @!p2 $0xFFFFFF80  }
0x152: {  	_ =	swait.ge @!p2 [sflag:s12], $0x80  }
0x153: {  	[sflag:s12] =	ssyncset.done @!p2 $0x0  }
0x154: {  	[sflag:s12] =	ssyncadd.s32 @!p2 $0xFFFFFF80  }
0x155: {  	s19 =	simm.s32 @!p3 $0x5;
	s4 =	simm.s32 @!p2 $0x100;
	s31 =	rddreg [dreg:$0x0]  }
0x156: {  	[tilespmem:s4], [sflag:$0x2] =	stream.indirect.gather @!p2 [hbm4b:s31+s9], $0x80, s9, s9, $0xb8;
	[tilespmem:$0x18600] =	vst v63  }
0x157: {  	_ =	swait.ge @!p3 [sflag:s19], $0x80  }
0x158: {  	[sflag:s19] =	ssyncset.done @!p3 $0x0  }
0x159: {  	[sflag:s19] =	ssyncadd.s32 @!p3 $0xFFFFFF80  }
0x15a: {  	_ =	swait.ge @!p3 [sflag:s19], $0x80  }
0x15b: {  	[sflag:s19] =	ssyncset.done @!p3 $0x0  }
0x15c: {  	s26 =	simm.s32 @!p3 $0x80;
	s12 =	simm.s32 @!p3 $0x4200;
	[sflag:s19] =	ssyncadd.s32 @!p3 $0xFFFFFF80  }
0x15d: {  	[tilespmem:s12], [sflag:$0x6] =	stream.indirect.gather @!p3 [hbm4b:s31+s26], $0x80, s2, s26, $0xb8;
	[tilespmem:$0x18600] =	vst v63  }
0x15e: {  	s2 =	simm.s32 @!p4 $0x9  }
0x15f: {  	_ =	swait.ge @!p4 [sflag:s2], $0x80  }
0x160: {  	[sflag:s2] =	ssyncset.done @!p4 $0x0  }
0x161: {  	[sflag:s2] =	ssyncadd.s32 @!p4 $0xFFFFFF80  }
0x162: {  	_ =	swait.ge @!p4 [sflag:s2], $0x80  }
0x163: {  	s28 =	simm.s32 @!p4 $0x80;
	[sflag:s2] =	ssyncset.done @!p4 $0x0  }
0x164: {  	s19 =	simm.s32 @!p4 $0x8300;
	[sflag:s2] =	ssyncadd.s32 @!p4 $0xFFFFFF80;
	s2 =	simm.s32 @!p1 $0xD  }
0x165: {  	[tilespmem:s19], [sflag:$0xA] =	stream.indirect.gather @!p4 [hbm4b:s31+s28], $0x80, s13, s28, $0xb8;
	[tilespmem:$0x18600] =	vst v63  }
0x166: {  	_ =	swait.ge @!p1 [sflag:s2], $0x80  }
0x167: {  	[sflag:s2] =	ssyncset.done @!p1 $0x0  }
0x168: {  	[sflag:s2] =	ssyncadd.s32 @!p1 $0xFFFFFF80  }
0x169: {  	_ =	swait.ge @!p1 [sflag:s2], $0x80  }
0x16a: {  	s29 =	simm.s32 @!p1 $0x80;
	[sflag:s2] =	ssyncset.done @!p1 $0x0  }
0x16b: {  	s13 =	simm.s32 @!p1 $0xC400;
	[sflag:s2] =	ssyncadd.s32 @!p1 $0xFFFFFF80;
	s2 =	simm.s32 @!p5 $0x11  }
0x16c: {  	[tilespmem:s13], [sflag:$0xE] =	stream.indirect.gather @!p1 [hbm4b:s31+s29], $0x80, s24, s29, $0xb8;
	[tilespmem:$0x18600] =	vst v63  }
0x16d: {  	_ =	swait.ge @!p5 [sflag:s2], $0x80  }
0x16e: {  	[sflag:s2] =	ssyncset.done @!p5 $0x0  }
0x16f: {  	[sflag:s2] =	ssyncadd.s32 @!p5 $0xFFFFFF80  }
0x170: {  	_ =	swait.ge @!p5 [sflag:s2], $0x80  }
0x171: {  	[sflag:s2] =	ssyncset.done @!p5 $0x0  }
0x172: {  	s24 =	simm.s32 @!p5 $0x80;
	[sflag:s2] =	ssyncadd.s32 @!p5 $0xFFFFFF80;
	s2 =	simm.s32 @!p5 $0x10500  }
0x173: {  	[tilespmem:s2], [sflag:$0x12] =	stream.indirect.gather @!p5 [hbm4b:s31+s24], $0x80, s25, s24, $0xb8;
	[tilespmem:$0x18600] =	vst v63  }
0x174: {  	s25 =	simm.s32 @!p0 $0x15  }
0x175: {  	_ =	swait.ge @!p0 [sflag:s25], $0x80  }
0x176: {  	[sflag:s25] =	ssyncset.done @!p0 $0x0  }
0x177: {  	[sflag:s25] =	ssyncadd.s32 @!p0 $0xFFFFFF80  }
0x178: {  	_ =	swait.ge @!p0 [sflag:s25], $0x80  }
0x179: {  	[sflag:s25] =	ssyncset.done @!p0 $0x0  }
0x17a: {  	s30 =	simm.s32 @!p0 $0x80;
	[sflag:s25] =	ssyncadd.s32 @!p0 $0xFFFFFF80;
	s25 =	simm.s32 @!p0 $0x14600  }
0x17b: {  	[tilespmem:s25], [sflag:$0x16] =	stream.indirect.gather @!p0 [hbm4b:s31+s30], $0x80, s5, s30, $0xb8;
	[tilespmem:$0x18600] =	vst v63  }
0x17c: {  	s5 =	simm.s32 @!p2 $0x2  }
0x17d: {  	_ =	swait.ge @!p2 [sflag:s5], $0x4000  }
0x17e: {  	[sflag:s5] =	ssyncset.done @!p2 $0x0  }
0x17f: {  	s31 =	rddreg [dreg:$0x10];
	[sflag:s5] =	ssyncadd.s32 @!p2 $0xFFFFC000;
	s5 =	simm.s32 @!p3 $0x6  }
0x180: {  	[tilespmem:s4], [sflag:$0x3] =	stream.indirect.gather.add.f32 @!p2 [hbm:s31], $0x80, s0, s9, $0xb8;
	[tilespmem:$0x18600] =	vst v63  }
0x181: {  	_ =	swait.ge @!p3 [sflag:s5], $0x4000  }
0x182: {  	[sflag:s5] =	ssyncset.done @!p3 $0x0  }
0x183: {  	[sflag:s5] =	ssyncadd.s32 @!p3 $0xFFFFC000;
	s5 =	simm.s32 @!p4 $0xA  }
0x184: {  	[tilespmem:s12], [sflag:$0x7] =	stream.indirect.gather.add.f32 @!p3 [hbm:s31], $0x80, s7, s26, $0xb8;
	[tilespmem:$0x18600] =	vst v63  }
0x185: {  	_ =	swait.ge @!p4 [sflag:s5], $0x4000  }
0x186: {  	[sflag:s5] =	ssyncset.done @!p4 $0x0  }
0x187: {  	[sflag:s5] =	ssyncadd.s32 @!p4 $0xFFFFC000;
	s5 =	simm.s32 @!p1 $0xE  }
0x188: {  	[tilespmem:s19], [sflag:$0xB] =	stream.indirect.gather.add.f32 @!p4 [hbm:s31], $0x80, s20, s28, $0xb8;
	[tilespmem:$0x18600] =	vst v63  }
0x189: {  	_ =	swait.ge @!p1 [sflag:s5], $0x4000  }
0x18a: {  	[sflag:s5] =	ssyncset.done @!p1 $0x0  }
0x18b: {  	[sflag:s5] =	ssyncadd.s32 @!p1 $0xFFFFC000;
	s5 =	simm.s32 @!p5 $0x12  }
0x18c: {  	[tilespmem:s13], [sflag:$0xF] =	stream.indirect.gather.add.f32 @!p1 [hbm:s31], $0x80, s8, s29, $0xb8;
	[tilespmem:$0x18600] =	vst v63  }
0x18d: {  	_ =	swait.ge @!p5 [sflag:s5], $0x4000  }
0x18e: {  	[sflag:s5] =	ssyncset.done @!p5 $0x0  }
0x18f: {  	[sflag:s5] =	ssyncadd.s32 @!p5 $0xFFFFC000  }
0x190: {  	[tilespmem:s2], [sflag:$0x13] =	stream.indirect.gather.add.f32 @!p5 [hbm:s31], $0x80, s1, s24, $0xb8;
	[tilespmem:$0x18600] =	vst v63  }
0x191: {  	s1 =	simm.s32 @!p0 $0x16  }
0x192: {  	_ =	swait.ge @!p0 [sflag:s1], $0x4000  }
0x193: {  	[sflag:s1] =	ssyncset.done @!p0 $0x0  }
0x194: {  	[sflag:s1] =	ssyncadd.s32 @!p0 $0xFFFFC000;
	s1 =	simm.s32 @!p2 $0x3  }
0x195: {  	[tilespmem:s25], [sflag:$0x17] =	stream.indirect.gather.add.f32 @!p0 [hbm:s31], $0x80, s3, s30, $0xb8;
	[tilespmem:$0x18600] =	vst v63  }
0x196: {  	_ =	swait.ge @!p2 [sflag:s1], $0x4000  }
0x197: {  	[sflag:s1] =	ssyncset.done @!p2 $0x0  }
0x198: {  	[sflag:s1] =	ssyncadd.s32 @!p2 $0xFFFFC000  }
0x199: {  	[hbm4b:s18+s0] =	stream.linear.scatter @!p2 [tilespmem:s4], [sflag:$0x4], $0x4000, $0x38;
	[tilespmem:$0x18600] =	vst v63  }
0x19a: {  	s0 =	simm.s32 @!p3 $0x7  }
0x19b: {  	_ =	swait.ge @!p3 [sflag:s0], $0x4000  }
0x19c: {  	[sflag:s0] =	ssyncset.done @!p3 $0x0  }
0x19d: {  	[sflag:s0] =	ssyncadd.s32 @!p3 $0xFFFFC000;
	s0 =	simm.s32 @!p4 $0xB  }
0x19e: {  	[hbm4b:s17+s22] =	stream.linear.scatter @!p3 [tilespmem:s12], [sflag:$0x8], $0x4000, $0x38;
	[tilespmem:$0x18600] =	vst v63  }
0x19f: {  	_ =	swait.ge @!p4 [sflag:s0], $0x4000  }
0x1a0: {  	[sflag:s0] =	ssyncset.done @!p4 $0x0  }
0x1a1: {  	[sflag:s0] =	ssyncadd.s32 @!p4 $0xFFFFC000;
	s0 =	simm.s32 @!p1 $0xF  }
0x1a2: {  	[hbm4b:s16+s6] =	stream.linear.scatter @!p4 [tilespmem:s19], [sflag:$0xC], $0x4000, $0x38;
	[tilespmem:$0x18600] =	vst v63  }
0x1a3: {  	_ =	swait.ge @!p1 [sflag:s0], $0x4000  }
0x1a4: {  	[sflag:s0] =	ssyncset.done @!p1 $0x0  }
0x1a5: {  	[sflag:s0] =	ssyncadd.s32 @!p1 $0xFFFFC000;
	s0 =	simm.s32 @!p5 $0x13  }
0x1a6: {  	[hbm4b:s14+s10] =	stream.linear.scatter @!p1 [tilespmem:s13], [sflag:$0x10], $0x4000, $0x38;
	[tilespmem:$0x18600] =	vst v63  }
0x1a7: {  	_ =	swait.ge @!p5 [sflag:s0], $0x4000  }
0x1a8: {  	[sflag:s0] =	ssyncset.done @!p5 $0x0  }
0x1a9: {  	[sflag:s0] =	ssyncadd.s32 @!p5 $0xFFFFC000;
	s0 =	simm.s32 @!p0 $0x17  }
0x1aa: {  	[hbm4b:s15+s11] =	stream.linear.scatter @!p5 [tilespmem:s2], [sflag:$0x14], $0x4000, $0x38;
	[tilespmem:$0x18600] =	vst v63  }
0x1ab: {  	_ =	swait.ge @!p0 [sflag:s0], $0x4000  }
0x1ac: {  	[sflag:s0] =	ssyncset.done @!p0 $0x0  }
0x1ad: {  	[sflag:s0] =	ssyncadd.s32 @!p0 $0xFFFFC000;
	s0 =	simm.s32 @!p2 $0x4  }
0x1ae: {  	[hbm4b:s23+s21] =	stream.linear.scatter @!p0 [tilespmem:s25], [sflag:$0x18], $0x4000, $0x38;
	[tilespmem:$0x18600] =	vst v63  }
0x1af: {  	_ =	swait.ge @!p2 [sflag:s0], $0x4000  }
0x1b0: {  	[sflag:s0] =	ssyncset.done @!p2 $0x0  }
0x1b1: {  	[sflag:s0] =	ssyncadd.s32 @!p2 $0xFFFFC000;
	s0 =	simm.s32 @!p3 $0x8  }
0x1b2: {  	_ =	swait.ge @!p3 [sflag:s0], $0x4000  }
0x1b3: {  	[sflag:s0] =	ssyncset.done @!p3 $0x0  }
0x1b4: {  	[sflag:s0] =	ssyncadd.s32 @!p3 $0xFFFFC000;
	s0 =	simm.s32 @!p4 $0xC  }
0x1b5: {  	_ =	swait.ge @!p4 [sflag:s0], $0x4000  }
0x1b6: {  	[sflag:s0] =	ssyncset.done @!p4 $0x0  }
0x1b7: {  	[sflag:s0] =	ssyncadd.s32 @!p4 $0xFFFFC000;
	s0 =	simm.s32 @!p1 $0x10  }
0x1b8: {  	_ =	swait.ge @!p1 [sflag:s0], $0x4000  }
0x1b9: {  	[sflag:s0] =	ssyncset.done @!p1 $0x0  }
0x1ba: {  	[sflag:s0] =	ssyncadd.s32 @!p1 $0xFFFFC000;
	s0 =	simm.s32 @!p5 $0x14  }
0x1bb: {  	_ =	swait.ge @!p5 [sflag:s0], $0x4000  }
0x1bc: {  	[sflag:s0] =	ssyncset.done @!p5 $0x0  }
0x1bd: {  	[sflag:s0] =	ssyncadd.s32 @!p5 $0xFFFFC000;
	s0 =	simm.s32 @!p0 $0x18  }
0x1be: {  	_ =	swait.ge @!p0 [sflag:s0], $0x4000  }
0x1bf: {  	s30 =	rddreg [dreg:$0x12]  }
0x1c0: {  	s31 =	rddreg [dreg:$0x13];
	s9 =	sadd.s32 $0x1, s30  }
0x1c1: {  	p1 =	sne.s32 s9, s31  }
.Ltmp1:
0x1c2: {  	_ = 	snop;
	(pc) =	sbr.rel @p1 .LBB2_1-.Ltmp1, $3  }
0x1c3: {  	_ =	sdelay $0x1  }
0x1c4: {  	[sflag:s0] =	ssyncset.done @!p0 $0x0  }
0x1c5: {  	[sflag:s0] =	ssyncadd.s32 @!p0 $0xFFFFC000  }
0x1c6: {  	_ =	sfence.sel $0x180000  }
0x1c7: {  	[bflag:$0x0] =	sbarrier.arrive $0xFFFF  }
0x1c8: {  	_ =	strace $0x90000047  }
0x1c9: {  	s0 =	stileid.u32;
	[bflag:$0x2] =	sbarrier.arrive $0xFFFF  }
0x1ca: {  	p0 =	sne.s32 s0, $0x0;
	s0 =	rddreg [dreg:$0x3]  }
0x1cb: {  	s0 =	sadd.s32 @!p0 $0x100000, s0  }
0x1cc: {  	[sflag:s0] =	ssyncadd.tile.s32 @!p0 $0x1;
	_ =	shalt  }
.Lfunc_end2:
_tile_overlayer_lowered:
.L_overlay_start_2:
0x1cd: {  	(tag) =	ssettag $0x2  }
0x1ce: {  	s0 =	rddreg [dreg:$0x0];
	s2 =	stileid.u32  }
0x1cf: {  	s1 =	rddreg [dreg:$0x1];
	p0 =	sne.s32 s2, $0x0  }
0x1d0: {  	s3 =	rddreg [dreg:$0x2];
	[bflag:$0x3] =	sbarrier.arrive $0xFFFF;
	s2 =	simm.s32 @!p0 $0x1C19  }
0x1d1: {  	[timem:s3], [sflag:s2] =	dma.local @!p0 [hbm:s0], s1  }
0x1d2: {  	s0 =	simm.s32 @!p0 $0x19  }
0x1d3: {  	_ =	swait.ge @!p0 [sflag:s0], s1  }
0x1d4: {  	s1 =	ssub.s32 @!p0 $0x0, s1;
	[sflag:s0] =	ssyncset.done @!p0 $0x0  }
0x1d5: {  	[sflag:s0] =	ssyncadd.s32 @!p0 s1  }
0x1d6: {  	[bflag:$0x3] =	sbarrier.arrive $0xFFFF  }
0x1d7: {  	_ =	shalt  }

</sc_bundles>
